<compile_context>
chip_gen: v7x
topology: tpu7x:2x2x1
jax: 0.10.2.dev20260603
libtpu: 0.0.44.dev20260713+nightly
codegen_flags: <defaults>
</compile_context>

<pallas_src>
import functools
import jax
import jax.numpy as jnp
from jax import lax
from jax.experimental import pallas as pl
from jax.experimental.pallas import tpu as pltpu
from jax.experimental.pallas import tpu_sc as plsc


def kernel(x, pos_table):
    S, B, E = x.shape
    NC, NS, L = 2, 16, 16
    NW = NC * NS
    ROWS = S * B
    RPW = ROWS // NW
    R = 128
    CH = RPW // R
    CE = R * E

    xf = x.reshape(ROWS * E)
    pf = pos_table.reshape(S * E)
    mesh = plsc.VectorSubcoreMesh(core_axis_name="c", subcore_axis_name="s")

    @functools.partial(
        pl.kernel,
        mesh=mesh,
        out_type=jax.ShapeDtypeStruct((ROWS * E,), jnp.float32),
        scratch_types=[
            pltpu.VMEM((S * E,), jnp.float32),
            pltpu.VMEM((CE,), jnp.float32),
            pltpu.VMEM((CE,), jnp.float32),
            pltpu.SemaphoreType.DMA,
            pltpu.SemaphoreType.DMA,
            pltpu.SemaphoreType.DMA,
            pltpu.SemaphoreType.DMA,
        ],
    )
    def sc_k(x_hbm, pos_hbm, out_hbm, pos_v, buf0, buf1, li0, li1, so0, so1):
        wid = lax.axis_index("s") * NC + lax.axis_index("c")
        base = wid * (RPW * E)

        pltpu.sync_copy(pos_hbm, pos_v)

        bufs = (buf0, buf1)
        lsems = (li0, li1)
        ssems = (so0, so1)

        def start_load(c, p):
            pltpu.async_copy(
                x_hbm.at[pl.ds(base + c * CE, CE)], bufs[p], lsems[p])

        def wait_load(p):
            pltpu.make_async_copy(
                x_hbm.at[pl.ds(0, CE)], bufs[p], lsems[p]).wait()

        def start_store(c, p):
            pltpu.async_copy(
                bufs[p], out_hbm.at[pl.ds(base + c * CE, CE)], ssems[p])

        def wait_store(p):
            pltpu.make_async_copy(
                bufs[p], out_hbm.at[pl.ds(0, CE)], ssems[p]).wait()

        def compute(c, p):
            buf = bufs[p]
            s = (wid * RPW + c * R) // B
            prow = [pos_v[pl.ds(s * E + j * L, L)] for j in range(E // L)]

            def row_body(r, _):
                o = r * E
                for j in range(E // L):
                    sl = pl.ds(o + j * L, L)
                    buf[sl] = buf[sl] + prow[j]
                return 0

            lax.fori_loop(0, R, row_body, 0, unroll=2)

        start_load(0, 0)

        def g_body(g, _):
            c0 = 2 * g
            c1 = 2 * g + 1
            @pl.when(g > 0)
            def _():
                wait_store(1)
            start_load(c1, 1)
            wait_load(0)
            compute(c0, 0)
            start_store(c0, 0)
            wait_load(1)
            compute(c1, 1)
            start_store(c1, 1)
            wait_store(0)
            @pl.when(g < CH // 2 - 1)
            def _():
                start_load(c0 + 2, 0)
            return 0

        lax.fori_loop(0, CH // 2, g_body, 0)
        wait_store(1)

    out = sc_k(xf, pf)
    return out.reshape(S, B, E)

# --- scband reference (transcript-rebuilt; emitter-appended) ---
"""Pipeline reference for scband-positional-encoding-71640054497544 (READ-ONLY COPY).

The authoritative reference and input builder live on the scoring server;
editing this copy changes nothing except your own understanding.
"""

import jax, jax.numpy as jnp
import numpy as np

def setup_inputs(seed: int = 0) -> dict:
    key = jax.random.key(seed)
    k1, k2 = jax.random.split(key)
    x = jax.random.normal(k1, (200, 1024, 128), dtype=jnp.float32)
    # nn.Embedding weight: N(0, 1), shape [max_len, embedding_size]
    pos_table = jax.random.normal(k2, (200, 128), dtype=jnp.float32)
    return {"x": x, "pos_table": pos_table}

def reference(x, pos_table):
    # x: [S, B, E]
    S, B, E = x.shape
    # positional_vectors = arange(S).unsqueeze(1).expand(S, B)
    pos_idx = jnp.broadcast_to(jnp.arange(S)[:, None], (S, B))
    # embedding lookup -> [S, B, E]
    pe = jnp.take(pos_table, pos_idx, axis=0)
    # dropout in eval mode == identity
    return x + pe

if __name__ == "__main__":
    import jax
    _d = setup_inputs()
    print(jax.jit(kernel)(*tuple(_d.values())))

</pallas_src>

<mosaic_0001>
#map = affine_map<(d0, d1) -> (0)>
module attributes {stable_mosaic.version = 14 : i64} {
  func.func @sc_k(%arg0: i32, %arg1: i32, %arg2: memref<26214400xf32, #tpu.memory_space<hbm>>, %arg3: memref<25600xf32, #tpu.memory_space<hbm>>, %arg4: memref<26214400xf32, #tpu.memory_space<hbm>>, %arg5: memref<25600xf32, #tpu.memory_space<vmem>>, %arg6: memref<16384xf32, #tpu.memory_space<vmem>>, %arg7: memref<16384xf32, #tpu.memory_space<vmem>>, %arg8: memref<!tpu.dma_semaphore, #tpu.memory_space<semaphore_mem>>, %arg9: memref<!tpu.dma_semaphore, #tpu.memory_space<semaphore_mem>>, %arg10: memref<!tpu.dma_semaphore, #tpu.memory_space<semaphore_mem>>, %arg11: memref<!tpu.dma_semaphore, #tpu.memory_space<semaphore_mem>>) attributes {dimension_semantics = [#tpu.dimension_semantics<core_parallel>, #tpu.dimension_semantics<subcore_parallel>], iteration_bounds = array<i64: 2, 16>, scalar_prefetch = 0 : i64, scratch_operands = 7 : i64, tpu.core_type = #tpu.core_type<sc_vector_subcore>, window_params = [{transform_indices = #map}, {transform_indices = #map}, {transform_indices = #map}]} {
    %mul3A = arith.constant 2 : i32
    %mul3A_0 = arith.muli %arg1, %mul3A : i32
    %add3A = arith.addi %mul3A_0, %arg0 : i32
    %mul3A_1 = arith.constant 819200 : i32
    %mul3A_2 = arith.muli %add3A, %mul3A_1 : i32
    "tpu.region"() ({
      %run_scoped3A = tpu.sem_alloc : memref<!tpu.dma_semaphore, #tpu.memory_space<semaphore_mem>>
      tpu.enqueue_dma source(%arg3 : memref<25600xf32, #tpu.memory_space<hbm>>) target(%arg5 : memref<25600xf32, #tpu.memory_space<vmem>>) target_semaphore(%run_scoped3A : memref<!tpu.dma_semaphore, #tpu.memory_space<semaphore_mem>>)
      tpu.wait_dma2 semaphore(%run_scoped3A : memref<!tpu.dma_semaphore, #tpu.memory_space<semaphore_mem>>) src(%arg3 : memref<25600xf32, #tpu.memory_space<hbm>>) dst(%arg5 : memref<25600xf32, #tpu.memory_space<vmem>>)
      tpu.yield
    }) : () -> ()
    %add3A_3 = arith.constant 0 : i32
    %add3A_4 = arith.addi %mul3A_2, %add3A_3 : i32
    %dma_start3A = tpu.memref_slice %arg2[%add3A_4] : memref<26214400xf32, #tpu.memory_space<hbm>> -> memref<16384xf32, #tpu.memory_space<hbm>>
    %dma_start3A_5 = tpu.memref_slice %arg2[%add3A_4] : memref<26214400xf32, #tpu.memory_space<hbm>> -> memref<16384xf32, #tpu.memory_space<hbm>>
    tpu.enqueue_dma source(%dma_start3A_5 : memref<16384xf32, #tpu.memory_space<hbm>>) target(%arg6 : memref<16384xf32, #tpu.memory_space<vmem>>) target_semaphore(%arg8 : memref<!tpu.dma_semaphore, #tpu.memory_space<semaphore_mem>>)
    %scan3A = arith.constant 0 : i32
    %scan3A_6 = arith.constant 0 : i32
    %scan3A_7 = arith.constant 25 : i32
    %scan3A_8 = arith.addi %scan3A_6, %scan3A_7 : i32
    %scan3A_9 = arith.constant 1 : i32
    %scan3A_10 = scf.for %scan3A_15 = %scan3A_6 to %scan3A_8 step %scan3A_9 iter_args(%scan3A_16 = %scan3A) -> (i32)  : i32 {
      %mul3A_17 = arith.constant 2 : i32
      %mul3A_18 = arith.muli %mul3A_17, %scan3A_15 : i32
      %mul3A_19 = arith.constant 2 : i32
      %mul3A_20 = arith.muli %mul3A_19, %scan3A_15 : i32
      %add3A_21 = arith.constant 1 : i32
      %add3A_22 = arith.addi %mul3A_20, %add3A_21 : i32
      %gt3A = arith.constant 0 : i32
      %gt3A_23 = arith.cmpi sgt, %scan3A_15, %gt3A : i32
      %convert_element_type3A = arith.extui %gt3A_23 : i1 to i32
      %cond3A = arith.constant 0 : i32
      %cond3A_24 = arith.cmpi ne, %convert_element_type3A, %cond3A : i32
      scf.if %cond3A_24 {
        %dma_wait3A_232 = arith.constant 0 : i32
        %dma_wait3A_233 = tpu.memref_slice %arg4[%dma_wait3A_232] : memref<26214400xf32, #tpu.memory_space<hbm>> -> memref<16384xf32, #tpu.memory_space<hbm>>
        %dma_wait3A_234 = arith.constant 0 : i32
        %dma_wait3A_235 = tpu.memref_slice %arg4[%dma_wait3A_234] : memref<26214400xf32, #tpu.memory_space<hbm>> -> memref<16384xf32, #tpu.memory_space<hbm>>
        tpu.wait_dma2 semaphore(%arg11 : memref<!tpu.dma_semaphore, #tpu.memory_space<semaphore_mem>>) src(%arg7 : memref<16384xf32, #tpu.memory_space<vmem>>) dst(%dma_wait3A_235 : memref<16384xf32, #tpu.memory_space<hbm>>)
      } else {
      }
      %mul3A_25 = arith.constant 16384 : i32
      %mul3A_26 = arith.muli %add3A_22, %mul3A_25 : i32
      %add3A_27 = arith.addi %mul3A_2, %mul3A_26 : i32
      %dma_start3A_28 = tpu.memref_slice %arg2[%add3A_27] : memref<26214400xf32, #tpu.memory_space<hbm>> -> memref<16384xf32, #tpu.memory_space<hbm>>
      %dma_start3A_29 = tpu.memref_slice %arg2[%add3A_27] : memref<26214400xf32, #tpu.memory_space<hbm>> -> memref<16384xf32, #tpu.memory_space<hbm>>
      tpu.enqueue_dma source(%dma_start3A_29 : memref<16384xf32, #tpu.memory_space<hbm>>) target(%arg7 : memref<16384xf32, #tpu.memory_space<vmem>>) target_semaphore(%arg9 : memref<!tpu.dma_semaphore, #tpu.memory_space<semaphore_mem>>)
      %dma_wait3A_30 = arith.constant 0 : i32
      %dma_wait3A_31 = tpu.memref_slice %arg2[%dma_wait3A_30] : memref<26214400xf32, #tpu.memory_space<hbm>> -> memref<16384xf32, #tpu.memory_space<hbm>>
      %dma_wait3A_32 = arith.constant 0 : i32
      %dma_wait3A_33 = tpu.memref_slice %arg2[%dma_wait3A_32] : memref<26214400xf32, #tpu.memory_space<hbm>> -> memref<16384xf32, #tpu.memory_space<hbm>>
      tpu.wait_dma2 semaphore(%arg8 : memref<!tpu.dma_semaphore, #tpu.memory_space<semaphore_mem>>) src(%dma_wait3A_33 : memref<16384xf32, #tpu.memory_space<hbm>>) dst(%arg6 : memref<16384xf32, #tpu.memory_space<vmem>>)
      %mul3A_34 = arith.constant 6400 : i32
      %mul3A_35 = arith.muli %add3A, %mul3A_34 : i32
      %mul3A_36 = arith.constant 128 : i32
      %mul3A_37 = arith.muli %mul3A_18, %mul3A_36 : i32
      %add3A_38 = arith.addi %mul3A_35, %mul3A_37 : i32
      %jit3A = arith.constant 1024 : i32
      %div3A = arith.divsi %add3A_38, %jit3A : i32
      %sign3A = arith.constant 0 : i32
      %sign3A_39 = arith.cmpi sgt, %add3A_38, %sign3A : i32
      %sign3A_40 = arith.extui %sign3A_39 : i1 to i32
      %sign3A_41 = arith.constant 0 : i32
      %sign3A_42 = arith.cmpi slt, %add3A_38, %sign3A_41 : i32
      %sign3A_43 = arith.extui %sign3A_42 : i1 to i32
      %sign3A_44 = arith.subi %sign3A_40, %sign3A_43 : i32
      %sign3A_45 = arith.constant 0 : i32
      %sign3A_46 = arith.cmpi sgt, %jit3A, %sign3A_45 : i32
      %sign3A_47 = arith.extui %sign3A_46 : i1 to i32
      %sign3A_48 = arith.constant 0 : i32
      %sign3A_49 = arith.cmpi slt, %jit3A, %sign3A_48 : i32
      %sign3A_50 = arith.extui %sign3A_49 : i1 to i32
      %sign3A_51 = arith.subi %sign3A_47, %sign3A_50 : i32
      %ne3A = arith.cmpi ne, %sign3A_44, %sign3A_51 : i32
      %rem3A = arith.remsi %add3A_38, %jit3A : i32
      %ne3A_52 = arith.constant 0 : i32
      %ne3A_53 = arith.cmpi ne, %rem3A, %ne3A_52 : i32
      %and3A = arith.andi %ne3A, %ne3A_53 : i1
      %sub3A = arith.constant 1 : i32
      %sub3A_54 = arith.subi %div3A, %sub3A : i32
      %select_n3A = arith.select %and3A, %sub3A_54, %div3A : i32
      %mul3A_55 = arith.constant 128 : i32
      %mul3A_56 = arith.muli %select_n3A, %mul3A_55 : i32
      %add3A_57 = arith.constant 0 : i32
      %add3A_58 = arith.addi %mul3A_56, %add3A_57 : i32
      %get3A = arith.index_cast %add3A_58 : i32 to index
      %get3A_59 = tpu.vector_load %arg5[%get3A] {strides = array<i32>} : memref<25600xf32, #tpu.memory_space<vmem>>, vector<16xf32>,
      %get3A_60 = vector.shape_cast %get3A_59 : vector<16xf32> to vector<16xf32>
      %mul3A_61 = arith.constant 128 : i32
      %mul3A_62 = arith.muli %select_n3A, %mul3A_61 : i32
      %add3A_63 = arith.constant 16 : i32
      %add3A_64 = arith.addi %mul3A_62, %add3A_63 : i32
      %get3A_65 = arith.index_cast %add3A_64 : i32 to index
      %get3A_66 = tpu.vector_load %arg5[%get3A_65] {strides = array<i32>} : memref<25600xf32, #tpu.memory_space<vmem>>, vector<16xf32>,
      %get3A_67 = vector.shape_cast %get3A_66 : vector<16xf32> to vector<16xf32>
      %mul3A_68 = arith.constant 128 : i32
      %mul3A_69 = arith.muli %select_n3A, %mul3A_68 : i32
      %add3A_70 = arith.constant 32 : i32
      %add3A_71 = arith.addi %mul3A_69, %add3A_70 : i32
      %get3A_72 = arith.index_cast %add3A_71 : i32 to index
      %get3A_73 = tpu.vector_load %arg5[%get3A_72] {strides = array<i32>} : memref<25600xf32, #tpu.memory_space<vmem>>, vector<16xf32>,
      %get3A_74 = vector.shape_cast %get3A_73 : vector<16xf32> to vector<16xf32>
      %mul3A_75 = arith.constant 128 : i32
      %mul3A_76 = arith.muli %select_n3A, %mul3A_75 : i32
      %add3A_77 = arith.constant 48 : i32
      %add3A_78 = arith.addi %mul3A_76, %add3A_77 : i32
      %get3A_79 = arith.index_cast %add3A_78 : i32 to index
      %get3A_80 = tpu.vector_load %arg5[%get3A_79] {strides = array<i32>} : memref<25600xf32, #tpu.memory_space<vmem>>, vector<16xf32>,
      %get3A_81 = vector.shape_cast %get3A_80 : vector<16xf32> to vector<16xf32>
      %mul3A_82 = arith.constant 128 : i32
      %mul3A_83 = arith.muli %select_n3A, %mul3A_82 : i32
      %add3A_84 = arith.constant 64 : i32
      %add3A_85 = arith.addi %mul3A_83, %add3A_84 : i32
      %get3A_86 = arith.index_cast %add3A_85 : i32 to index
      %get3A_87 = tpu.vector_load %arg5[%get3A_86] {strides = array<i32>} : memref<25600xf32, #tpu.memory_space<vmem>>, vector<16xf32>,
      %get3A_88 = vector.shape_cast %get3A_87 : vector<16xf32> to vector<16xf32>
      %mul3A_89 = arith.constant 128 : i32
      %mul3A_90 = arith.muli %select_n3A, %mul3A_89 : i32
      %add3A_91 = arith.constant 80 : i32
      %add3A_92 = arith.addi %mul3A_90, %add3A_91 : i32
      %get3A_93 = arith.index_cast %add3A_92 : i32 to index
      %get3A_94 = tpu.vector_load %arg5[%get3A_93] {strides = array<i32>} : memref<25600xf32, #tpu.memory_space<vmem>>, vector<16xf32>,
      %get3A_95 = vector.shape_cast %get3A_94 : vector<16xf32> to vector<16xf32>
      %mul3A_96 = arith.constant 128 : i32
      %mul3A_97 = arith.muli %select_n3A, %mul3A_96 : i32
      %add3A_98 = arith.constant 96 : i32
      %add3A_99 = arith.addi %mul3A_97, %add3A_98 : i32
      %get3A_100 = arith.index_cast %add3A_99 : i32 to index
      %get3A_101 = tpu.vector_load %arg5[%get3A_100] {strides = array<i32>} : memref<25600xf32, #tpu.memory_space<vmem>>, vector<16xf32>,
      %get3A_102 = vector.shape_cast %get3A_101 : vector<16xf32> to vector<16xf32>
      %mul3A_103 = arith.constant 128 : i32
      %mul3A_104 = arith.muli %select_n3A, %mul3A_103 : i32
      %add3A_105 = arith.constant 112 : i32
      %add3A_106 = arith.addi %mul3A_104, %add3A_105 : i32
      %get3A_107 = arith.index_cast %add3A_106 : i32 to index
      %get3A_108 = tpu.vector_load %arg5[%get3A_107] {strides = array<i32>} : memref<25600xf32, #tpu.memory_space<vmem>>, vector<16xf32>,
      %get3A_109 = vector.shape_cast %get3A_108 : vector<16xf32> to vector<16xf32>
      %scan3A_110 = arith.constant 0 : i32
      %scan3A_111 = arith.constant 0 : i32
      %scan3A_112 = arith.constant 128 : i32
      %scan3A_113 = arith.addi %scan3A_111, %scan3A_112 : i32
      %scan3A_114 = arith.constant 2 : i32
      %scan3A_115 = scf.for %scan3A_232 = %scan3A_111 to %scan3A_113 step %scan3A_114 iter_args(%scan3A_233 = %scan3A_110) -> (i32)  : i32 {
        %mul3A_234 = arith.constant 128 : i32
        %mul3A_235 = arith.muli %scan3A_232, %mul3A_234 : i32
        %add3A_236 = arith.constant 0 : i32
        %add3A_237 = arith.addi %mul3A_235, %add3A_236 : i32
        %get3A_238 = arith.index_cast %add3A_237 : i32 to index
        %get3A_239 = tpu.vector_load %arg6[%get3A_238] {strides = array<i32>} : memref<16384xf32, #tpu.memory_space<vmem>>, vector<16xf32>,
        %get3A_240 = vector.shape_cast %get3A_239 : vector<16xf32> to vector<16xf32>
        %add3A_241 = arith.addf %get3A_240, %get3A_60 : vector<16xf32>
        %swap3A = arith.index_cast %add3A_237 : i32 to index
        %swap3A_242 = tpu.vector_load %arg6[%swap3A] {strides = array<i32>} : memref<16384xf32, #tpu.memory_space<vmem>>, vector<16xf32>,
        %swap3A_243 = vector.shape_cast %swap3A_242 : vector<16xf32> to vector<16xf32>
        %swap3A_244 = vector.shape_cast %add3A_241 : vector<16xf32> to vector<16xf32>
        tpu.vector_store %arg6[%swap3A], %swap3A_244 {strides = array<i32>} : memref<16384xf32, #tpu.memory_space<vmem>>, vector<16xf32>,
        %add3A_245 = arith.constant 16 : i32
        %add3A_246 = arith.addi %mul3A_235, %add3A_245 : i32
        %get3A_247 = arith.index_cast %add3A_246 : i32 to index
        %get3A_248 = tpu.vector_load %arg6[%get3A_247] {strides = array<i32>} : memref<16384xf32, #tpu.memory_space<vmem>>, vector<16xf32>,
        %get3A_249 = vector.shape_cast %get3A_248 : vector<16xf32> to vector<16xf32>
        %add3A_250 = arith.addf %get3A_249, %get3A_67 : vector<16xf32>
        %swap3A_251 = arith.index_cast %add3A_246 : i32 to index
        %swap3A_252 = tpu.vector_load %arg6[%swap3A_251] {strides = array<i32>} : memref<16384xf32, #tpu.memory_space<vmem>>, vector<16xf32>,
        %swap3A_253 = vector.shape_cast %swap3A_252 : vector<16xf32> to vector<16xf32>
        %swap3A_254 = vector.shape_cast %add3A_250 : vector<16xf32> to vector<16xf32>
        tpu.vector_store %arg6[%swap3A_251], %swap3A_254 {strides = array<i32>} : memref<16384xf32, #tpu.memory_space<vmem>>, vector<16xf32>,
        %add3A_255 = arith.constant 32 : i32
        %add3A_256 = arith.addi %mul3A_235, %add3A_255 : i32
        %get3A_257 = arith.index_cast %add3A_256 : i32 to index
        %get3A_258 = tpu.vector_load %arg6[%get3A_257] {strides = array<i32>} : memref<16384xf32, #tpu.memory_space<vmem>>, vector<16xf32>,
        %get3A_259 = vector.shape_cast %get3A_258 : vector<16xf32> to vector<16xf32>
        %add3A_260 = arith.addf %get3A_259, %get3A_74 : vector<16xf32>
        %swap3A_261 = arith.index_cast %add3A_256 : i32 to index
        %swap3A_262 = tpu.vector_load %arg6[%swap3A_261] {strides = array<i32>} : memref<16384xf32, #tpu.memory_space<vmem>>, vector<16xf32>,
        %swap3A_263 = vector.shape_cast %swap3A_262 : vector<16xf32> to vector<16xf32>
        %swap3A_264 = vector.shape_cast %add3A_260 : vector<16xf32> to vector<16xf32>
        tpu.vector_store %arg6[%swap3A_261], %swap3A_264 {strides = array<i32>} : memref<16384xf32, #tpu.memory_space<vmem>>, vector<16xf32>,
        %add3A_265 = arith.constant 48 : i32
        %add3A_266 = arith.addi %mul3A_235, %add3A_265 : i32
        %get3A_267 = arith.index_cast %add3A_266 : i32 to index
        %get3A_268 = tpu.vector_load %arg6[%get3A_267] {strides = array<i32>} : memref<16384xf32, #tpu.memory_space<vmem>>, vector<16xf32>,
        %get3A_269 = vector.shape_cast %get3A_268 : vector<16xf32> to vector<16xf32>
        %add3A_270 = arith.addf %get3A_269, %get3A_81 : vector<16xf32>
        %swap3A_271 = arith.index_cast %add3A_266 : i32 to index
        %swap3A_272 = tpu.vector_load %arg6[%swap3A_271] {strides = array<i32>} : memref<16384xf32, #tpu.memory_space<vmem>>, vector<16xf32>,
        %swap3A_273 = vector.shape_cast %swap3A_272 : vector<16xf32> to vector<16xf32>
        %swap3A_274 = vector.shape_cast %add3A_270 : vector<16xf32> to vector<16xf32>
        tpu.vector_store %arg6[%swap3A_271], %swap3A_274 {strides = array<i32>} : memref<16384xf32, #tpu.memory_space<vmem>>, vector<16xf32>,
        %add3A_275 = arith.constant 64 : i32
        %add3A_276 = arith.addi %mul3A_235, %add3A_275 : i32
        %get3A_277 = arith.index_cast %add3A_276 : i32 to index
        %get3A_278 = tpu.vector_load %arg6[%get3A_277] {strides = array<i32>} : memref<16384xf32, #tpu.memory_space<vmem>>, vector<16xf32>,
        %get3A_279 = vector.shape_cast %get3A_278 : vector<16xf32> to vector<16xf32>
        %add3A_280 = arith.addf %get3A_279, %get3A_88 : vector<16xf32>
        %swap3A_281 = arith.index_cast %add3A_276 : i32 to index
        %swap3A_282 = tpu.vector_load %arg6[%swap3A_281] {strides = array<i32>} : memref<16384xf32, #tpu.memory_space<vmem>>, vector<16xf32>,
        %swap3A_283 = vector.shape_cast %swap3A_282 : vector<16xf32> to vector<16xf32>
        %swap3A_284 = vector.shape_cast %add3A_280 : vector<16xf32> to vector<16xf32>
        tpu.vector_store %arg6[%swap3A_281], %swap3A_284 {strides = array<i32>} : memref<16384xf32, #tpu.memory_space<vmem>>, vector<16xf32>,
        %add3A_285 = arith.constant 80 : i32
        %add3A_286 = arith.addi %mul3A_235, %add3A_285 : i32
        %get3A_287 = arith.index_cast %add3A_286 : i32 to index
        %get3A_288 = tpu.vector_load %arg6[%get3A_287] {strides = array<i32>} : memref<16384xf32, #tpu.memory_space<vmem>>, vector<16xf32>,
        %get3A_289 = vector.shape_cast %get3A_288 : vector<16xf32> to vector<16xf32>
        %add3A_290 = arith.addf %get3A_289, %get3A_95 : vector<16xf32>
        %swap3A_291 = arith.index_cast %add3A_286 : i32 to index
        %swap3A_292 = tpu.vector_load %arg6[%swap3A_291] {strides = array<i32>} : memref<16384xf32, #tpu.memory_space<vmem>>, vector<16xf32>,
        %swap3A_293 = vector.shape_cast %swap3A_292 : vector<16xf32> to vector<16xf32>
        %swap3A_294 = vector.shape_cast %add3A_290 : vector<16xf32> to vector<16xf32>
        tpu.vector_store %arg6[%swap3A_291], %swap3A_294 {strides = array<i32>} : memref<16384xf32, #tpu.memory_space<vmem>>, vector<16xf32>,
        %add3A_295 = arith.constant 96 : i32
        %add3A_296 = arith.addi %mul3A_235, %add3A_295 : i32
        %get3A_297 = arith.index_cast %add3A_296 : i32 to index
        %get3A_298 = tpu.vector_load %arg6[%get3A_297] {strides = array<i32>} : memref<16384xf32, #tpu.memory_space<vmem>>, vector<16xf32>,
        %get3A_299 = vector.shape_cast %get3A_298 : vector<16xf32> to vector<16xf32>
        %add3A_300 = arith.addf %get3A_299, %get3A_102 : vector<16xf32>
        %swap3A_301 = arith.index_cast %add3A_296 : i32 to index
        %swap3A_302 = tpu.vector_load %arg6[%swap3A_301] {strides = array<i32>} : memref<16384xf32, #tpu.memory_space<vmem>>, vector<16xf32>,
        %swap3A_303 = vector.shape_cast %swap3A_302 : vector<16xf32> to vector<16xf32>
        %swap3A_304 = vector.shape_cast %add3A_300 : vector<16xf32> to vector<16xf32>
        tpu.vector_store %arg6[%swap3A_301], %swap3A_304 {strides = array<i32>} : memref<16384xf32, #tpu.memory_space<vmem>>, vector<16xf32>,
        %add3A_305 = arith.constant 112 : i32
        %add3A_306 = arith.addi %mul3A_235, %add3A_305 : i32
        %get3A_307 = arith.index_cast %add3A_306 : i32 to index
        %get3A_308 = tpu.vector_load %arg6[%get3A_307] {strides = array<i32>} : memref<16384xf32, #tpu.memory_space<vmem>>, vector<16xf32>,
        %get3A_309 = vector.shape_cast %get3A_308 : vector<16xf32> to vector<16xf32>
        %add3A_310 = arith.addf %get3A_309, %get3A_109 : vector<16xf32>
        %swap3A_311 = arith.index_cast %add3A_306 : i32 to index
        %swap3A_312 = tpu.vector_load %arg6[%swap3A_311] {strides = array<i32>} : memref<16384xf32, #tpu.memory_space<vmem>>, vector<16xf32>,
        %swap3A_313 = vector.shape_cast %swap3A_312 : vector<16xf32> to vector<16xf32>
        %swap3A_314 = vector.shape_cast %add3A_310 : vector<16xf32> to vector<16xf32>
        tpu.vector_store %arg6[%swap3A_311], %swap3A_314 {strides = array<i32>} : memref<16384xf32, #tpu.memory_space<vmem>>, vector<16xf32>,
        %scan3A_315 = arith.constant 0 : i32
        %scan3A_316 = arith.constant 1 : i32
        %scan3A_317 = arith.addi %scan3A_232, %scan3A_316 : i32
        %mul3A_318 = arith.constant 128 : i32
        %mul3A_319 = arith.muli %scan3A_317, %mul3A_318 : i32
        %add3A_320 = arith.constant 0 : i32
        %add3A_321 = arith.addi %mul3A_319, %add3A_320 : i32
        %get3A_322 = arith.index_cast %add3A_321 : i32 to index
        %get3A_323 = tpu.vector_load %arg6[%get3A_322] {strides = array<i32>} : memref<16384xf32, #tpu.memory_space<vmem>>, vector<16xf32>,
        %get3A_324 = vector.shape_cast %get3A_323 : vector<16xf32> to vector<16xf32>
        %add3A_325 = arith.addf %get3A_324, %get3A_60 : vector<16xf32>
        %swap3A_326 = arith.index_cast %add3A_321 : i32 to index
        %swap3A_327 = tpu.vector_load %arg6[%swap3A_326] {strides = array<i32>} : memref<16384xf32, #tpu.memory_space<vmem>>, vector<16xf32>,
        %swap3A_328 = vector.shape_cast %swap3A_327 : vector<16xf32> to vector<16xf32>
        %swap3A_329 = vector.shape_cast %add3A_325 : vector<16xf32> to vector<16xf32>
        tpu.vector_store %arg6[%swap3A_326], %swap3A_329 {strides = array<i32>} : memref<16384xf32, #tpu.memory_space<vmem>>, vector<16xf32>,
        %add3A_330 = arith.constant 16 : i32
        %add3A_331 = arith.addi %mul3A_319, %add3A_330 : i32
        %get3A_332 = arith.index_cast %add3A_331 : i32 to index
        %get3A_333 = tpu.vector_load %arg6[%get3A_332] {strides = array<i32>} : memref<16384xf32, #tpu.memory_space<vmem>>, vector<16xf32>,
        %get3A_334 = vector.shape_cast %get3A_333 : vector<16xf32> to vector<16xf32>
        %add3A_335 = arith.addf %get3A_334, %get3A_67 : vector<16xf32>
        %swap3A_336 = arith.index_cast %add3A_331 : i32 to index
        %swap3A_337 = tpu.vector_load %arg6[%swap3A_336] {strides = array<i32>} : memref<16384xf32, #tpu.memory_space<vmem>>, vector<16xf32>,
        %swap3A_338 = vector.shape_cast %swap3A_337 : vector<16xf32> to vector<16xf32>
        %swap3A_339 = vector.shape_cast %add3A_335 : vector<16xf32> to vector<16xf32>
        tpu.vector_store %arg6[%swap3A_336], %swap3A_339 {strides = array<i32>} : memref<16384xf32, #tpu.memory_space<vmem>>, vector<16xf32>,
        %add3A_340 = arith.constant 32 : i32
        %add3A_341 = arith.addi %mul3A_319, %add3A_340 : i32
        %get3A_342 = arith.index_cast %add3A_341 : i32 to index
        %get3A_343 = tpu.vector_load %arg6[%get3A_342] {strides = array<i32>} : memref<16384xf32, #tpu.memory_space<vmem>>, vector<16xf32>,
        %get3A_344 = vector.shape_cast %get3A_343 : vector<16xf32> to vector<16xf32>
        %add3A_345 = arith.addf %get3A_344, %get3A_74 : vector<16xf32>
        %swap3A_346 = arith.index_cast %add3A_341 : i32 to index
        %swap3A_347 = tpu.vector_load %arg6[%swap3A_346] {strides = array<i32>} : memref<16384xf32, #tpu.memory_space<vmem>>, vector<16xf32>,
        %swap3A_348 = vector.shape_cast %swap3A_347 : vector<16xf32> to vector<16xf32>
        %swap3A_349 = vector.shape_cast %add3A_345 : vector<16xf32> to vector<16xf32>
        tpu.vector_store %arg6[%swap3A_346], %swap3A_349 {strides = array<i32>} : memref<16384xf32, #tpu.memory_space<vmem>>, vector<16xf32>,
        %add3A_350 = arith.constant 48 : i32
        %add3A_351 = arith.addi %mul3A_319, %add3A_350 : i32
        %get3A_352 = arith.index_cast %add3A_351 : i32 to index
        %get3A_353 = tpu.vector_load %arg6[%get3A_352] {strides = array<i32>} : memref<16384xf32, #tpu.memory_space<vmem>>, vector<16xf32>,
        %get3A_354 = vector.shape_cast %get3A_353 : vector<16xf32> to vector<16xf32>
        %add3A_355 = arith.addf %get3A_354, %get3A_81 : vector<16xf32>
        %swap3A_356 = arith.index_cast %add3A_351 : i32 to index
        %swap3A_357 = tpu.vector_load %arg6[%swap3A_356] {strides = array<i32>} : memref<16384xf32, #tpu.memory_space<vmem>>, vector<16xf32>,
        %swap3A_358 = vector.shape_cast %swap3A_357 : vector<16xf32> to vector<16xf32>
        %swap3A_359 = vector.shape_cast %add3A_355 : vector<16xf32> to vector<16xf32>
        tpu.vector_store %arg6[%swap3A_356], %swap3A_359 {strides = array<i32>} : memref<16384xf32, #tpu.memory_space<vmem>>, vector<16xf32>,
        %add3A_360 = arith.constant 64 : i32
        %add3A_361 = arith.addi %mul3A_319, %add3A_360 : i32
        %get3A_362 = arith.index_cast %add3A_361 : i32 to index
        %get3A_363 = tpu.vector_load %arg6[%get3A_362] {strides = array<i32>} : memref<16384xf32, #tpu.memory_space<vmem>>, vector<16xf32>,
        %get3A_364 = vector.shape_cast %get3A_363 : vector<16xf32> to vector<16xf32>
        %add3A_365 = arith.addf %get3A_364, %get3A_88 : vector<16xf32>
        %swap3A_366 = arith.index_cast %add3A_361 : i32 to index
        %swap3A_367 = tpu.vector_load %arg6[%swap3A_366] {strides = array<i32>} : memref<16384xf32, #tpu.memory_space<vmem>>, vector<16xf32>,
        %swap3A_368 = vector.shape_cast %swap3A_367 : vector<16xf32> to vector<16xf32>
        %swap3A_369 = vector.shape_cast %add3A_365 : vector<16xf32> to vector<16xf32>
        tpu.vector_store %arg6[%swap3A_366], %swap3A_369 {strides = array<i32>} : memref<16384xf32, #tpu.memory_space<vmem>>, vector<16xf32>,
        %add3A_370 = arith.constant 80 : i32
        %add3A_371 = arith.addi %mul3A_319, %add3A_370 : i32
        %get3A_372 = arith.index_cast %add3A_371 : i32 to index
        %get3A_373 = tpu.vector_load %arg6[%get3A_372] {strides = array<i32>} : memref<16384xf32, #tpu.memory_space<vmem>>, vector<16xf32>,
        %get3A_374 = vector.shape_cast %get3A_373 : vector<16xf32> to vector<16xf32>
        %add3A_375 = arith.addf %get3A_374, %get3A_95 : vector<16xf32>
        %swap3A_376 = arith.index_cast %add3A_371 : i32 to index
        %swap3A_377 = tpu.vector_load %arg6[%swap3A_376] {strides = array<i32>} : memref<16384xf32, #tpu.memory_space<vmem>>, vector<16xf32>,
        %swap3A_378 = vector.shape_cast %swap3A_377 : vector<16xf32> to vector<16xf32>
        %swap3A_379 = vector.shape_cast %add3A_375 : vector<16xf32> to vector<16xf32>
        tpu.vector_store %arg6[%swap3A_376], %swap3A_379 {strides = array<i32>} : memref<16384xf32, #tpu.memory_space<vmem>>, vector<16xf32>,
        %add3A_380 = arith.constant 96 : i32
        %add3A_381 = arith.addi %mul3A_319, %add3A_380 : i32
        %get3A_382 = arith.index_cast %add3A_381 : i32 to index
        %get3A_383 = tpu.vector_load %arg6[%get3A_382] {strides = array<i32>} : memref<16384xf32, #tpu.memory_space<vmem>>, vector<16xf32>,
        %get3A_384 = vector.shape_cast %get3A_383 : vector<16xf32> to vector<16xf32>
        %add3A_385 = arith.addf %get3A_384, %get3A_102 : vector<16xf32>
        %swap3A_386 = arith.index_cast %add3A_381 : i32 to index
        %swap3A_387 = tpu.vector_load %arg6[%swap3A_386] {strides = array<i32>} : memref<16384xf32, #tpu.memory_space<vmem>>, vector<16xf32>,
        %swap3A_388 = vector.shape_cast %swap3A_387 : vector<16xf32> to vector<16xf32>
        %swap3A_389 = vector.shape_cast %add3A_385 : vector<16xf32> to vector<16xf32>
        tpu.vector_store %arg6[%swap3A_386], %swap3A_389 {strides = array<i32>} : memref<16384xf32, #tpu.memory_space<vmem>>, vector<16xf32>,
        %add3A_390 = arith.constant 112 : i32
        %add3A_391 = arith.addi %mul3A_319, %add3A_390 : i32
        %get3A_392 = arith.index_cast %add3A_391 : i32 to index
        %get3A_393 = tpu.vector_load %arg6[%get3A_392] {strides = array<i32>} : memref<16384xf32, #tpu.memory_space<vmem>>, vector<16xf32>,
        %get3A_394 = vector.shape_cast %get3A_393 : vector<16xf32> to vector<16xf32>
        %add3A_395 = arith.addf %get3A_394, %get3A_109 : vector<16xf32>
        %swap3A_396 = arith.index_cast %add3A_391 : i32 to index
        %swap3A_397 = tpu.vector_load %arg6[%swap3A_396] {strides = array<i32>} : memref<16384xf32, #tpu.memory_space<vmem>>, vector<16xf32>,
        %swap3A_398 = vector.shape_cast %swap3A_397 : vector<16xf32> to vector<16xf32>
        %swap3A_399 = vector.shape_cast %add3A_395 : vector<16xf32> to vector<16xf32>
        tpu.vector_store %arg6[%swap3A_396], %swap3A_399 {strides = array<i32>} : memref<16384xf32, #tpu.memory_space<vmem>>, vector<16xf32>,
        %scan3A_400 = arith.constant 0 : i32
        scf.yield %scan3A_400 : i32
      }
      %scan3A_116 = arith.constant 128 : i32
      %mul3A_117 = arith.constant 16384 : i32
      %mul3A_118 = arith.muli %mul3A_18, %mul3A_117 : i32
      %add3A_119 = arith.addi %mul3A_2, %mul3A_118 : i32
      %dma_start3A_120 = tpu.memref_slice %arg4[%add3A_119] : memref<26214400xf32, #tpu.memory_space<hbm>> -> memref<16384xf32, #tpu.memory_space<hbm>>
      %dma_start3A_121 = tpu.memref_slice %arg4[%add3A_119] : memref<26214400xf32, #tpu.memory_space<hbm>> -> memref<16384xf32, #tpu.memory_space<hbm>>
      tpu.enqueue_dma source(%arg6 : memref<16384xf32, #tpu.memory_space<vmem>>) target(%dma_start3A_121 : memref<16384xf32, #tpu.memory_space<hbm>>) target_semaphore(%arg10 : memref<!tpu.dma_semaphore, #tpu.memory_space<semaphore_mem>>)
      %dma_wait3A_122 = arith.constant 0 : i32
      %dma_wait3A_123 = tpu.memref_slice %arg2[%dma_wait3A_122] : memref<26214400xf32, #tpu.memory_space<hbm>> -> memref<16384xf32, #tpu.memory_space<hbm>>
      %dma_wait3A_124 = arith.constant 0 : i32
      %dma_wait3A_125 = tpu.memref_slice %arg2[%dma_wait3A_124] : memref<26214400xf32, #tpu.memory_space<hbm>> -> memref<16384xf32, #tpu.memory_space<hbm>>
      tpu.wait_dma2 semaphore(%arg9 : memref<!tpu.dma_semaphore, #tpu.memory_space<semaphore_mem>>) src(%dma_wait3A_125 : memref<16384xf32, #tpu.memory_space<hbm>>) dst(%arg7 : memref<16384xf32, #tpu.memory_space<vmem>>)
      %mul3A_126 = arith.constant 6400 : i32
      %mul3A_127 = arith.muli %add3A, %mul3A_126 : i32
      %mul3A_128 = arith.constant 128 : i32
      %mul3A_129 = arith.muli %add3A_22, %mul3A_128 : i32
      %add3A_130 = arith.addi %mul3A_127, %mul3A_129 : i32
      %jit3A_131 = arith.constant 1024 : i32
      %div3A_132 = arith.divsi %add3A_130, %jit3A_131 : i32
      %sign3A_133 = arith.constant 0 : i32
      %sign3A_134 = arith.cmpi sgt, %add3A_130, %sign3A_133 : i32
      %sign3A_135 = arith.extui %sign3A_134 : i1 to i32
      %sign3A_136 = arith.constant 0 : i32
      %sign3A_137 = arith.cmpi slt, %add3A_130, %sign3A_136 : i32
      %sign3A_138 = arith.extui %sign3A_137 : i1 to i32
      %sign3A_139 = arith.subi %sign3A_135, %sign3A_138 : i32
      %sign3A_140 = arith.constant 0 : i32
      %sign3A_141 = arith.cmpi sgt, %jit3A_131, %sign3A_140 : i32
      %sign3A_142 = arith.extui %sign3A_141 : i1 to i32
      %sign3A_143 = arith.constant 0 : i32
      %sign3A_144 = arith.cmpi slt, %jit3A_131, %sign3A_143 : i32
      %sign3A_145 = arith.extui %sign3A_144 : i1 to i32
      %sign3A_146 = arith.subi %sign3A_142, %sign3A_145 : i32
      %ne3A_147 = arith.cmpi ne, %sign3A_139, %sign3A_146 : i32
      %rem3A_148 = arith.remsi %add3A_130, %jit3A_131 : i32
      %ne3A_149 = arith.constant 0 : i32
      %ne3A_150 = arith.cmpi ne, %rem3A_148, %ne3A_149 : i32
      %and3A_151 = arith.andi %ne3A_147, %ne3A_150 : i1
      %sub3A_152 = arith.constant 1 : i32
      %sub3A_153 = arith.subi %div3A_132, %sub3A_152 : i32
      %select_n3A_154 = arith.select %and3A_151, %sub3A_153, %div3A_132 : i32
      %mul3A_155 = arith.constant 128 : i32
      %mul3A_156 = arith.muli %select_n3A_154, %mul3A_155 : i32
      %add3A_157 = arith.constant 0 : i32
      %add3A_158 = arith.addi %mul3A_156, %add3A_157 : i32
      %get3A_159 = arith.index_cast %add3A_158 : i32 to index
      %get3A_160 = tpu.vector_load %arg5[%get3A_159] {strides = array<i32>} : memref<25600xf32, #tpu.memory_space<vmem>>, vector<16xf32>,
      %get3A_161 = vector.shape_cast %get3A_160 : vector<16xf32> to vector<16xf32>
      %mul3A_162 = arith.constant 128 : i32
      %mul3A_163 = arith.muli %select_n3A_154, %mul3A_162 : i32
      %add3A_164 = arith.constant 16 : i32
      %add3A_165 = arith.addi %mul3A_163, %add3A_164 : i32
      %get3A_166 = arith.index_cast %add3A_165 : i32 to index
      %get3A_167 = tpu.vector_load %arg5[%get3A_166] {strides = array<i32>} : memref<25600xf32, #tpu.memory_space<vmem>>, vector<16xf32>,
      %get3A_168 = vector.shape_cast %get3A_167 : vector<16xf32> to vector<16xf32>
      %mul3A_169 = arith.constant 128 : i32
      %mul3A_170 = arith.muli %select_n3A_154, %mul3A_169 : i32
      %add3A_171 = arith.constant 32 : i32
      %add3A_172 = arith.addi %mul3A_170, %add3A_171 : i32
      %get3A_173 = arith.index_cast %add3A_172 : i32 to index
      %get3A_174 = tpu.vector_load %arg5[%get3A_173] {strides = array<i32>} : memref<25600xf32, #tpu.memory_space<vmem>>, vector<16xf32>,
      %get3A_175 = vector.shape_cast %get3A_174 : vector<16xf32> to vector<16xf32>
      %mul3A_176 = arith.constant 128 : i32
      %mul3A_177 = arith.muli %select_n3A_154, %mul3A_176 : i32
      %add3A_178 = arith.constant 48 : i32
      %add3A_179 = arith.addi %mul3A_177, %add3A_178 : i32
      %get3A_180 = arith.index_cast %add3A_179 : i32 to index
      %get3A_181 = tpu.vector_load %arg5[%get3A_180] {strides = array<i32>} : memref<25600xf32, #tpu.memory_space<vmem>>, vector<16xf32>,
      %get3A_182 = vector.shape_cast %get3A_181 : vector<16xf32> to vector<16xf32>
      %mul3A_183 = arith.constant 128 : i32
      %mul3A_184 = arith.muli %select_n3A_154, %mul3A_183 : i32
      %add3A_185 = arith.constant 64 : i32
      %add3A_186 = arith.addi %mul3A_184, %add3A_185 : i32
      %get3A_187 = arith.index_cast %add3A_186 : i32 to index
      %get3A_188 = tpu.vector_load %arg5[%get3A_187] {strides = array<i32>} : memref<25600xf32, #tpu.memory_space<vmem>>, vector<16xf32>,
      %get3A_189 = vector.shape_cast %get3A_188 : vector<16xf32> to vector<16xf32>
      %mul3A_190 = arith.constant 128 : i32
      %mul3A_191 = arith.muli %select_n3A_154, %mul3A_190 : i32
      %add3A_192 = arith.constant 80 : i32
      %add3A_193 = arith.addi %mul3A_191, %add3A_192 : i32
      %get3A_194 = arith.index_cast %add3A_193 : i32 to index
      %get3A_195 = tpu.vector_load %arg5[%get3A_194] {strides = array<i32>} : memref<25600xf32, #tpu.memory_space<vmem>>, vector<16xf32>,
      %get3A_196 = vector.shape_cast %get3A_195 : vector<16xf32> to vector<16xf32>
      %mul3A_197 = arith.constant 128 : i32
      %mul3A_198 = arith.muli %select_n3A_154, %mul3A_197 : i32
      %add3A_199 = arith.constant 96 : i32
      %add3A_200 = arith.addi %mul3A_198, %add3A_199 : i32
      %get3A_201 = arith.index_cast %add3A_200 : i32 to index
      %get3A_202 = tpu.vector_load %arg5[%get3A_201] {strides = array<i32>} : memref<25600xf32, #tpu.memory_space<vmem>>, vector<16xf32>,
      %get3A_203 = vector.shape_cast %get3A_202 : vector<16xf32> to vector<16xf32>
      %mul3A_204 = arith.constant 128 : i32
      %mul3A_205 = arith.muli %select_n3A_154, %mul3A_204 : i32
      %add3A_206 = arith.constant 112 : i32
      %add3A_207 = arith.addi %mul3A_205, %add3A_206 : i32
      %get3A_208 = arith.index_cast %add3A_207 : i32 to index
      %get3A_209 = tpu.vector_load %arg5[%get3A_208] {strides = array<i32>} : memref<25600xf32, #tpu.memory_space<vmem>>, vector<16xf32>,
      %get3A_210 = vector.shape_cast %get3A_209 : vector<16xf32> to vector<16xf32>
      %scan3A_211 = arith.constant 0 : i32
      %scan3A_212 = arith.constant 0 : i32
      %scan3A_213 = arith.constant 128 : i32
      %scan3A_214 = arith.addi %scan3A_212, %scan3A_213 : i32
      %scan3A_215 = arith.constant 2 : i32
      %scan3A_216 = scf.for %scan3A_232 = %scan3A_212 to %scan3A_214 step %scan3A_215 iter_args(%scan3A_233 = %scan3A_211) -> (i32)  : i32 {
        %mul3A_234 = arith.constant 128 : i32
        %mul3A_235 = arith.muli %scan3A_232, %mul3A_234 : i32
        %add3A_236 = arith.constant 0 : i32
        %add3A_237 = arith.addi %mul3A_235, %add3A_236 : i32
        %get3A_238 = arith.index_cast %add3A_237 : i32 to index
        %get3A_239 = tpu.vector_load %arg7[%get3A_238] {strides = array<i32>} : memref<16384xf32, #tpu.memory_space<vmem>>, vector<16xf32>,
        %get3A_240 = vector.shape_cast %get3A_239 : vector<16xf32> to vector<16xf32>
        %add3A_241 = arith.addf %get3A_240, %get3A_161 : vector<16xf32>
        %swap3A = arith.index_cast %add3A_237 : i32 to index
        %swap3A_242 = tpu.vector_load %arg7[%swap3A] {strides = array<i32>} : memref<16384xf32, #tpu.memory_space<vmem>>, vector<16xf32>,
        %swap3A_243 = vector.shape_cast %swap3A_242 : vector<16xf32> to vector<16xf32>
        %swap3A_244 = vector.shape_cast %add3A_241 : vector<16xf32> to vector<16xf32>
        tpu.vector_store %arg7[%swap3A], %swap3A_244 {strides = array<i32>} : memref<16384xf32, #tpu.memory_space<vmem>>, vector<16xf32>,
        %add3A_245 = arith.constant 16 : i32
        %add3A_246 = arith.addi %mul3A_235, %add3A_245 : i32
        %get3A_247 = arith.index_cast %add3A_246 : i32 to index
        %get3A_248 = tpu.vector_load %arg7[%get3A_247] {strides = array<i32>} : memref<16384xf32, #tpu.memory_space<vmem>>, vector<16xf32>,
        %get3A_249 = vector.shape_cast %get3A_248 : vector<16xf32> to vector<16xf32>
        %add3A_250 = arith.addf %get3A_249, %get3A_168 : vector<16xf32>
        %swap3A_251 = arith.index_cast %add3A_246 : i32 to index
        %swap3A_252 = tpu.vector_load %arg7[%swap3A_251] {strides = array<i32>} : memref<16384xf32, #tpu.memory_space<vmem>>, vector<16xf32>,
        %swap3A_253 = vector.shape_cast %swap3A_252 : vector<16xf32> to vector<16xf32>
        %swap3A_254 = vector.shape_cast %add3A_250 : vector<16xf32> to vector<16xf32>
        tpu.vector_store %arg7[%swap3A_251], %swap3A_254 {strides = array<i32>} : memref<16384xf32, #tpu.memory_space<vmem>>, vector<16xf32>,
        %add3A_255 = arith.constant 32 : i32
        %add3A_256 = arith.addi %mul3A_235, %add3A_255 : i32
        %get3A_257 = arith.index_cast %add3A_256 : i32 to index
        %get3A_258 = tpu.vector_load %arg7[%get3A_257] {strides = array<i32>} : memref<16384xf32, #tpu.memory_space<vmem>>, vector<16xf32>,
        %get3A_259 = vector.shape_cast %get3A_258 : vector<16xf32> to vector<16xf32>
        %add3A_260 = arith.addf %get3A_259, %get3A_175 : vector<16xf32>
        %swap3A_261 = arith.index_cast %add3A_256 : i32 to index
        %swap3A_262 = tpu.vector_load %arg7[%swap3A_261] {strides = array<i32>} : memref<16384xf32, #tpu.memory_space<vmem>>, vector<16xf32>,
        %swap3A_263 = vector.shape_cast %swap3A_262 : vector<16xf32> to vector<16xf32>
        %swap3A_264 = vector.shape_cast %add3A_260 : vector<16xf32> to vector<16xf32>
        tpu.vector_store %arg7[%swap3A_261], %swap3A_264 {strides = array<i32>} : memref<16384xf32, #tpu.memory_space<vmem>>, vector<16xf32>,
        %add3A_265 = arith.constant 48 : i32
        %add3A_266 = arith.addi %mul3A_235, %add3A_265 : i32
        %get3A_267 = arith.index_cast %add3A_266 : i32 to index
        %get3A_268 = tpu.vector_load %arg7[%get3A_267] {strides = array<i32>} : memref<16384xf32, #tpu.memory_space<vmem>>, vector<16xf32>,
        %get3A_269 = vector.shape_cast %get3A_268 : vector<16xf32> to vector<16xf32>
        %add3A_270 = arith.addf %get3A_269, %get3A_182 : vector<16xf32>
        %swap3A_271 = arith.index_cast %add3A_266 : i32 to index
        %swap3A_272 = tpu.vector_load %arg7[%swap3A_271] {strides = array<i32>} : memref<16384xf32, #tpu.memory_space<vmem>>, vector<16xf32>,
        %swap3A_273 = vector.shape_cast %swap3A_272 : vector<16xf32> to vector<16xf32>
        %swap3A_274 = vector.shape_cast %add3A_270 : vector<16xf32> to vector<16xf32>
        tpu.vector_store %arg7[%swap3A_271], %swap3A_274 {strides = array<i32>} : memref<16384xf32, #tpu.memory_space<vmem>>, vector<16xf32>,
        %add3A_275 = arith.constant 64 : i32
        %add3A_276 = arith.addi %mul3A_235, %add3A_275 : i32
        %get3A_277 = arith.index_cast %add3A_276 : i32 to index
        %get3A_278 = tpu.vector_load %arg7[%get3A_277] {strides = array<i32>} : memref<16384xf32, #tpu.memory_space<vmem>>, vector<16xf32>,
        %get3A_279 = vector.shape_cast %get3A_278 : vector<16xf32> to vector<16xf32>
        %add3A_280 = arith.addf %get3A_279, %get3A_189 : vector<16xf32>
        %swap3A_281 = arith.index_cast %add3A_276 : i32 to index
        %swap3A_282 = tpu.vector_load %arg7[%swap3A_281] {strides = array<i32>} : memref<16384xf32, #tpu.memory_space<vmem>>, vector<16xf32>,
        %swap3A_283 = vector.shape_cast %swap3A_282 : vector<16xf32> to vector<16xf32>
        %swap3A_284 = vector.shape_cast %add3A_280 : vector<16xf32> to vector<16xf32>
        tpu.vector_store %arg7[%swap3A_281], %swap3A_284 {strides = array<i32>} : memref<16384xf32, #tpu.memory_space<vmem>>, vector<16xf32>,
        %add3A_285 = arith.constant 80 : i32
        %add3A_286 = arith.addi %mul3A_235, %add3A_285 : i32
        %get3A_287 = arith.index_cast %add3A_286 : i32 to index
        %get3A_288 = tpu.vector_load %arg7[%get3A_287] {strides = array<i32>} : memref<16384xf32, #tpu.memory_space<vmem>>, vector<16xf32>,
        %get3A_289 = vector.shape_cast %get3A_288 : vector<16xf32> to vector<16xf32>
        %add3A_290 = arith.addf %get3A_289, %get3A_196 : vector<16xf32>
        %swap3A_291 = arith.index_cast %add3A_286 : i32 to index
        %swap3A_292 = tpu.vector_load %arg7[%swap3A_291] {strides = array<i32>} : memref<16384xf32, #tpu.memory_space<vmem>>, vector<16xf32>,
        %swap3A_293 = vector.shape_cast %swap3A_292 : vector<16xf32> to vector<16xf32>
        %swap3A_294 = vector.shape_cast %add3A_290 : vector<16xf32> to vector<16xf32>
        tpu.vector_store %arg7[%swap3A_291], %swap3A_294 {strides = array<i32>} : memref<16384xf32, #tpu.memory_space<vmem>>, vector<16xf32>,
        %add3A_295 = arith.constant 96 : i32
        %add3A_296 = arith.addi %mul3A_235, %add3A_295 : i32
        %get3A_297 = arith.index_cast %add3A_296 : i32 to index
        %get3A_298 = tpu.vector_load %arg7[%get3A_297] {strides = array<i32>} : memref<16384xf32, #tpu.memory_space<vmem>>, vector<16xf32>,
        %get3A_299 = vector.shape_cast %get3A_298 : vector<16xf32> to vector<16xf32>
        %add3A_300 = arith.addf %get3A_299, %get3A_203 : vector<16xf32>
        %swap3A_301 = arith.index_cast %add3A_296 : i32 to index
        %swap3A_302 = tpu.vector_load %arg7[%swap3A_301] {strides = array<i32>} : memref<16384xf32, #tpu.memory_space<vmem>>, vector<16xf32>,
        %swap3A_303 = vector.shape_cast %swap3A_302 : vector<16xf32> to vector<16xf32>
        %swap3A_304 = vector.shape_cast %add3A_300 : vector<16xf32> to vector<16xf32>
        tpu.vector_store %arg7[%swap3A_301], %swap3A_304 {strides = array<i32>} : memref<16384xf32, #tpu.memory_space<vmem>>, vector<16xf32>,
        %add3A_305 = arith.constant 112 : i32
        %add3A_306 = arith.addi %mul3A_235, %add3A_305 : i32
        %get3A_307 = arith.index_cast %add3A_306 : i32 to index
        %get3A_308 = tpu.vector_load %arg7[%get3A_307] {strides = array<i32>} : memref<16384xf32, #tpu.memory_space<vmem>>, vector<16xf32>,
        %get3A_309 = vector.shape_cast %get3A_308 : vector<16xf32> to vector<16xf32>
        %add3A_310 = arith.addf %get3A_309, %get3A_210 : vector<16xf32>
        %swap3A_311 = arith.index_cast %add3A_306 : i32 to index
        %swap3A_312 = tpu.vector_load %arg7[%swap3A_311] {strides = array<i32>} : memref<16384xf32, #tpu.memory_space<vmem>>, vector<16xf32>,
        %swap3A_313 = vector.shape_cast %swap3A_312 : vector<16xf32> to vector<16xf32>
        %swap3A_314 = vector.shape_cast %add3A_310 : vector<16xf32> to vector<16xf32>
        tpu.vector_store %arg7[%swap3A_311], %swap3A_314 {strides = array<i32>} : memref<16384xf32, #tpu.memory_space<vmem>>, vector<16xf32>,
        %scan3A_315 = arith.constant 0 : i32
        %scan3A_316 = arith.constant 1 : i32
        %scan3A_317 = arith.addi %scan3A_232, %scan3A_316 : i32
        %mul3A_318 = arith.constant 128 : i32
        %mul3A_319 = arith.muli %scan3A_317, %mul3A_318 : i32
        %add3A_320 = arith.constant 0 : i32
        %add3A_321 = arith.addi %mul3A_319, %add3A_320 : i32
        %get3A_322 = arith.index_cast %add3A_321 : i32 to index
        %get3A_323 = tpu.vector_load %arg7[%get3A_322] {strides = array<i32>} : memref<16384xf32, #tpu.memory_space<vmem>>, vector<16xf32>,
        %get3A_324 = vector.shape_cast %get3A_323 : vector<16xf32> to vector<16xf32>
        %add3A_325 = arith.addf %get3A_324, %get3A_161 : vector<16xf32>
        %swap3A_326 = arith.index_cast %add3A_321 : i32 to index
        %swap3A_327 = tpu.vector_load %arg7[%swap3A_326] {strides = array<i32>} : memref<16384xf32, #tpu.memory_space<vmem>>, vector<16xf32>,
        %swap3A_328 = vector.shape_cast %swap3A_327 : vector<16xf32> to vector<16xf32>
        %swap3A_329 = vector.shape_cast %add3A_325 : vector<16xf32> to vector<16xf32>
        tpu.vector_store %arg7[%swap3A_326], %swap3A_329 {strides = array<i32>} : memref<16384xf32, #tpu.memory_space<vmem>>, vector<16xf32>,
        %add3A_330 = arith.constant 16 : i32
        %add3A_331 = arith.addi %mul3A_319, %add3A_330 : i32
        %get3A_332 = arith.index_cast %add3A_331 : i32 to index
        %get3A_333 = tpu.vector_load %arg7[%get3A_332] {strides = array<i32>} : memref<16384xf32, #tpu.memory_space<vmem>>, vector<16xf32>,
        %get3A_334 = vector.shape_cast %get3A_333 : vector<16xf32> to vector<16xf32>
        %add3A_335 = arith.addf %get3A_334, %get3A_168 : vector<16xf32>
        %swap3A_336 = arith.index_cast %add3A_331 : i32 to index
        %swap3A_337 = tpu.vector_load %arg7[%swap3A_336] {strides = array<i32>} : memref<16384xf32, #tpu.memory_space<vmem>>, vector<16xf32>,
        %swap3A_338 = vector.shape_cast %swap3A_337 : vector<16xf32> to vector<16xf32>
        %swap3A_339 = vector.shape_cast %add3A_335 : vector<16xf32> to vector<16xf32>
        tpu.vector_store %arg7[%swap3A_336], %swap3A_339 {strides = array<i32>} : memref<16384xf32, #tpu.memory_space<vmem>>, vector<16xf32>,
        %add3A_340 = arith.constant 32 : i32
        %add3A_341 = arith.addi %mul3A_319, %add3A_340 : i32
        %get3A_342 = arith.index_cast %add3A_341 : i32 to index
        %get3A_343 = tpu.vector_load %arg7[%get3A_342] {strides = array<i32>} : memref<16384xf32, #tpu.memory_space<vmem>>, vector<16xf32>,
        %get3A_344 = vector.shape_cast %get3A_343 : vector<16xf32> to vector<16xf32>
        %add3A_345 = arith.addf %get3A_344, %get3A_175 : vector<16xf32>
        %swap3A_346 = arith.index_cast %add3A_341 : i32 to index
        %swap3A_347 = tpu.vector_load %arg7[%swap3A_346] {strides = array<i32>} : memref<16384xf32, #tpu.memory_space<vmem>>, vector<16xf32>,
        %swap3A_348 = vector.shape_cast %swap3A_347 : vector<16xf32> to vector<16xf32>
        %swap3A_349 = vector.shape_cast %add3A_345 : vector<16xf32> to vector<16xf32>
        tpu.vector_store %arg7[%swap3A_346], %swap3A_349 {strides = array<i32>} : memref<16384xf32, #tpu.memory_space<vmem>>, vector<16xf32>,
        %add3A_350 = arith.constant 48 : i32
        %add3A_351 = arith.addi %mul3A_319, %add3A_350 : i32
        %get3A_352 = arith.index_cast %add3A_351 : i32 to index
        %get3A_353 = tpu.vector_load %arg7[%get3A_352] {strides = array<i32>} : memref<16384xf32, #tpu.memory_space<vmem>>, vector<16xf32>,
        %get3A_354 = vector.shape_cast %get3A_353 : vector<16xf32> to vector<16xf32>
        %add3A_355 = arith.addf %get3A_354, %get3A_182 : vector<16xf32>
        %swap3A_356 = arith.index_cast %add3A_351 : i32 to index
        %swap3A_357 = tpu.vector_load %arg7[%swap3A_356] {strides = array<i32>} : memref<16384xf32, #tpu.memory_space<vmem>>, vector<16xf32>,
        %swap3A_358 = vector.shape_cast %swap3A_357 : vector<16xf32> to vector<16xf32>
        %swap3A_359 = vector.shape_cast %add3A_355 : vector<16xf32> to vector<16xf32>
        tpu.vector_store %arg7[%swap3A_356], %swap3A_359 {strides = array<i32>} : memref<16384xf32, #tpu.memory_space<vmem>>, vector<16xf32>,
        %add3A_360 = arith.constant 64 : i32
        %add3A_361 = arith.addi %mul3A_319, %add3A_360 : i32
        %get3A_362 = arith.index_cast %add3A_361 : i32 to index
        %get3A_363 = tpu.vector_load %arg7[%get3A_362] {strides = array<i32>} : memref<16384xf32, #tpu.memory_space<vmem>>, vector<16xf32>,
        %get3A_364 = vector.shape_cast %get3A_363 : vector<16xf32> to vector<16xf32>
        %add3A_365 = arith.addf %get3A_364, %get3A_189 : vector<16xf32>
        %swap3A_366 = arith.index_cast %add3A_361 : i32 to index
        %swap3A_367 = tpu.vector_load %arg7[%swap3A_366] {strides = array<i32>} : memref<16384xf32, #tpu.memory_space<vmem>>, vector<16xf32>,
        %swap3A_368 = vector.shape_cast %swap3A_367 : vector<16xf32> to vector<16xf32>
        %swap3A_369 = vector.shape_cast %add3A_365 : vector<16xf32> to vector<16xf32>
        tpu.vector_store %arg7[%swap3A_366], %swap3A_369 {strides = array<i32>} : memref<16384xf32, #tpu.memory_space<vmem>>, vector<16xf32>,
        %add3A_370 = arith.constant 80 : i32
        %add3A_371 = arith.addi %mul3A_319, %add3A_370 : i32
        %get3A_372 = arith.index_cast %add3A_371 : i32 to index
        %get3A_373 = tpu.vector_load %arg7[%get3A_372] {strides = array<i32>} : memref<16384xf32, #tpu.memory_space<vmem>>, vector<16xf32>,
        %get3A_374 = vector.shape_cast %get3A_373 : vector<16xf32> to vector<16xf32>
        %add3A_375 = arith.addf %get3A_374, %get3A_196 : vector<16xf32>
        %swap3A_376 = arith.index_cast %add3A_371 : i32 to index
        %swap3A_377 = tpu.vector_load %arg7[%swap3A_376] {strides = array<i32>} : memref<16384xf32, #tpu.memory_space<vmem>>, vector<16xf32>,
        %swap3A_378 = vector.shape_cast %swap3A_377 : vector<16xf32> to vector<16xf32>
        %swap3A_379 = vector.shape_cast %add3A_375 : vector<16xf32> to vector<16xf32>
        tpu.vector_store %arg7[%swap3A_376], %swap3A_379 {strides = array<i32>} : memref<16384xf32, #tpu.memory_space<vmem>>, vector<16xf32>,
        %add3A_380 = arith.constant 96 : i32
        %add3A_381 = arith.addi %mul3A_319, %add3A_380 : i32
        %get3A_382 = arith.index_cast %add3A_381 : i32 to index
        %get3A_383 = tpu.vector_load %arg7[%get3A_382] {strides = array<i32>} : memref<16384xf32, #tpu.memory_space<vmem>>, vector<16xf32>,
        %get3A_384 = vector.shape_cast %get3A_383 : vector<16xf32> to vector<16xf32>
        %add3A_385 = arith.addf %get3A_384, %get3A_203 : vector<16xf32>
        %swap3A_386 = arith.index_cast %add3A_381 : i32 to index
        %swap3A_387 = tpu.vector_load %arg7[%swap3A_386] {strides = array<i32>} : memref<16384xf32, #tpu.memory_space<vmem>>, vector<16xf32>,
        %swap3A_388 = vector.shape_cast %swap3A_387 : vector<16xf32> to vector<16xf32>
        %swap3A_389 = vector.shape_cast %add3A_385 : vector<16xf32> to vector<16xf32>
        tpu.vector_store %arg7[%swap3A_386], %swap3A_389 {strides = array<i32>} : memref<16384xf32, #tpu.memory_space<vmem>>, vector<16xf32>,
        %add3A_390 = arith.constant 112 : i32
        %add3A_391 = arith.addi %mul3A_319, %add3A_390 : i32
        %get3A_392 = arith.index_cast %add3A_391 : i32 to index
        %get3A_393 = tpu.vector_load %arg7[%get3A_392] {strides = array<i32>} : memref<16384xf32, #tpu.memory_space<vmem>>, vector<16xf32>,
        %get3A_394 = vector.shape_cast %get3A_393 : vector<16xf32> to vector<16xf32>
        %add3A_395 = arith.addf %get3A_394, %get3A_210 : vector<16xf32>
        %swap3A_396 = arith.index_cast %add3A_391 : i32 to index
        %swap3A_397 = tpu.vector_load %arg7[%swap3A_396] {strides = array<i32>} : memref<16384xf32, #tpu.memory_space<vmem>>, vector<16xf32>,
        %swap3A_398 = vector.shape_cast %swap3A_397 : vector<16xf32> to vector<16xf32>
        %swap3A_399 = vector.shape_cast %add3A_395 : vector<16xf32> to vector<16xf32>
        tpu.vector_store %arg7[%swap3A_396], %swap3A_399 {strides = array<i32>} : memref<16384xf32, #tpu.memory_space<vmem>>, vector<16xf32>,
        %scan3A_400 = arith.constant 0 : i32
        scf.yield %scan3A_400 : i32
      }
      %scan3A_217 = arith.constant 128 : i32
      %mul3A_218 = arith.constant 16384 : i32
      %mul3A_219 = arith.muli %add3A_22, %mul3A_218 : i32
      %add3A_220 = arith.addi %mul3A_2, %mul3A_219 : i32
      %dma_start3A_221 = tpu.memref_slice %arg4[%add3A_220] : memref<26214400xf32, #tpu.memory_space<hbm>> -> memref<16384xf32, #tpu.memory_space<hbm>>
      %dma_start3A_222 = tpu.memref_slice %arg4[%add3A_220] : memref<26214400xf32, #tpu.memory_space<hbm>> -> memref<16384xf32, #tpu.memory_space<hbm>>
      tpu.enqueue_dma source(%arg7 : memref<16384xf32, #tpu.memory_space<vmem>>) target(%dma_start3A_222 : memref<16384xf32, #tpu.memory_space<hbm>>) target_semaphore(%arg11 : memref<!tpu.dma_semaphore, #tpu.memory_space<semaphore_mem>>)
      %dma_wait3A_223 = arith.constant 0 : i32
      %dma_wait3A_224 = tpu.memref_slice %arg4[%dma_wait3A_223] : memref<26214400xf32, #tpu.memory_space<hbm>> -> memref<16384xf32, #tpu.memory_space<hbm>>
      %dma_wait3A_225 = arith.constant 0 : i32
      %dma_wait3A_226 = tpu.memref_slice %arg4[%dma_wait3A_225] : memref<26214400xf32, #tpu.memory_space<hbm>> -> memref<16384xf32, #tpu.memory_space<hbm>>
      tpu.wait_dma2 semaphore(%arg10 : memref<!tpu.dma_semaphore, #tpu.memory_space<semaphore_mem>>) src(%arg6 : memref<16384xf32, #tpu.memory_space<vmem>>) dst(%dma_wait3A_226 : memref<16384xf32, #tpu.memory_space<hbm>>)
      %lt3A = arith.constant 24 : i32
      %lt3A_227 = arith.cmpi slt, %scan3A_15, %lt3A : i32
      %convert_element_type3A_228 = arith.extui %lt3A_227 : i1 to i32
      %cond3A_229 = arith.constant 0 : i32
      %cond3A_230 = arith.cmpi ne, %convert_element_type3A_228, %cond3A_229 : i32
      scf.if %cond3A_230 {
        %add3A_232 = arith.constant 2 : i32
        %add3A_233 = arith.addi %mul3A_18, %add3A_232 : i32
        %mul3A_234 = arith.constant 16384 : i32
        %mul3A_235 = arith.muli %add3A_233, %mul3A_234 : i32
        %add3A_236 = arith.addi %mul3A_2, %mul3A_235 : i32
        %dma_start3A_237 = tpu.memref_slice %arg2[%add3A_236] : memref<26214400xf32, #tpu.memory_space<hbm>> -> memref<16384xf32, #tpu.memory_space<hbm>>
        %dma_start3A_238 = tpu.memref_slice %arg2[%add3A_236] : memref<26214400xf32, #tpu.memory_space<hbm>> -> memref<16384xf32, #tpu.memory_space<hbm>>
        tpu.enqueue_dma source(%dma_start3A_238 : memref<16384xf32, #tpu.memory_space<hbm>>) target(%arg6 : memref<16384xf32, #tpu.memory_space<vmem>>) target_semaphore(%arg8 : memref<!tpu.dma_semaphore, #tpu.memory_space<semaphore_mem>>)
      } else {
      }
      %scan3A_231 = arith.constant 0 : i32
      scf.yield %scan3A_231 : i32
    }
    %scan3A_11 = arith.constant 25 : i32
    %dma_wait3A = arith.constant 0 : i32
    %dma_wait3A_12 = tpu.memref_slice %arg4[%dma_wait3A] : memref<26214400xf32, #tpu.memory_space<hbm>> -> memref<16384xf32, #tpu.memory_space<hbm>>
    %dma_wait3A_13 = arith.constant 0 : i32
    %dma_wait3A_14 = tpu.memref_slice %arg4[%dma_wait3A_13] : memref<26214400xf32, #tpu.memory_space<hbm>> -> memref<16384xf32, #tpu.memory_space<hbm>>
    tpu.wait_dma2 semaphore(%arg11 : memref<!tpu.dma_semaphore, #tpu.memory_space<semaphore_mem>>) src(%arg7 : memref<16384xf32, #tpu.memory_space<vmem>>) dst(%dma_wait3A_14 : memref<16384xf32, #tpu.memory_space<hbm>>)
    return
  }
}

</mosaic_0001>

<sc_bundles>
// kernel: kernel.3.cloned.1.call-start
scs
__scs_entry_jumppad:
0x0: {  	(pc) =	sbr.rel $0x88, $3  }
0x1: {  	(tag) =	ssettag $0x0;
	lr =	simm.s32 $0x1  }
0x2: {  	[smem:$0x3F9F] =	sst lr;
	_ =	strace $0xD0000000  }
0x3: {  	_ = 	snop  }
0x4: {  	_ = 	snop  }
0x5: {  	_ = 	snop  }
0x6: {  	_ = 	snop  }
0x7: {  	_ = 	snop  }
__scs_overlays_trampoline_lowered:
0x8: {  	[smem:$0x3FAE] =	sst s0  }
0x9: {  	[smem:$0x3FAF] =	sst s1  }
0xa: {  	[smem:$0x3FB0] =	sst s2  }
0xb: {  	[smem:$0x3FB1] =	sst s3  }
0xc: {  	[smem:$0x3FB2] =	sst s4  }
0xd: {  	[smem:$0x3FB3] =	sst s5  }
0xe: {  	[smem:$0x3FB4] =	sst s6  }
0xf: {  	[smem:$0x3FB5] =	sst s7  }
0x10: {  	[smem:$0x3FB6] =	sst s8  }
0x11: {  	[smem:$0x3FB7] =	sst s9;
	s0 =	simm.s32 @!p0 $0x0  }
0x12: {  	s1 =	sld [smem:$0x3F9D];
	s0 =	simm.s32 @p0 $0x1  }
0x13: {  	[smem:$0x3FB8] =	sst s0;
	s0 =	simm.s32 @!p1 $0x0  }
0x14: {  	s2 =	sld [smem:$0x3F9C];
	s0 =	simm.s32 @p1 $0x1  }
0x15: {  	[smem:$0x3FB9] =	sst s0;
	s0 =	simm.s32 @!p2 $0x0  }
0x16: {  	s3 =	sld [smem:$0x3FDB];
	s0 =	simm.s32 @p2 $0x1  }
0x17: {  	s4 =	simm.s32 $0x1BF5;
	[smem:$0x3FBB] =	sst s0  }
0x18: {  	s0 =	sld [smem:$0x3F9E];
	_ =	swait.ge [sflag:s4], $0x0  }
0x19: {  	s7 =	sld [smem:$0x3F9F]  }
0x1a: {  	s8 =	sadd.s32 $0xFFFFE003, lr  }
0x1b: {  	s9 =	sadd.s32 $0xFFFFFEF7, lr;
	s5 =	simm.s32 $0xFFFFFFFF;
	p2 =	slt.u32 s8, $0xFFFFF086  }
0x1c: {  	p1 =	slt.u32 s9, $0xF7A;
	s5 =	simm.s32 @!p2 $0x0  }
0x1d: {  	s5 =	simm.s32 @p1 $0x1;
	p0 =	seq.s32 s7, s2  }
0x1e: {  	s7 =	smul.u32 @!p0 $0xF7A, s2;
	p2 =	seq.s32 @!p0 s5, $0x0  }
0x1f: {  	s9 =	smul.u32 $0xF7A, s1;
	s8 =	simm.s32 @!p0 $0x1BF5;
	p2 =	por !p2, p0  }
0x20: {  	[sflag:s8] =	ssyncset.s32 @!p0 $0xFFFFF086;
	s6 =	sadd.s32 @!p0 s3, s7;
	s7 =	simm.s32 @!p0 $0x108  }
0x21: {  	s3 =	sadd.s32 s3, s9;
	s6 =	sadd.s32 @!p0 $0x88, s6;
	s7 =	simm.s32 @p2 $0x1082  }
0x22: {  	[simem:s7], [sflag:s8] =	dma.local @!p0 [hbm:s6], $0xF7A  }
0x23: {  	s9 =	sor.u32 $0xD0000000, s2;
	s6 =	simm.s32 $0x108;
	_ =	swait.ge @!p0 [sflag:s8], $0x0  }
0x24: {  	s3 =	sadd.s32 $0x88, s3;
	s6 =	simm.s32 @!p1 $0x1082;
	[sflag:s4] =	ssyncset.s32 $0xFFFFF086  }
0x25: {  	[simem:s6], [sflag:s4] =	dma.local [hbm:s3], $0xF7A  }
0x26: {  	[smem:$0x3F9F] =	sst s1;
	(tag) =	ssettag s2;
	_ =	strace s9  }
0x27: {  	s1 =	sld [smem:$0x3FAF]  }
0x28: {  	s2 =	sld [smem:$0x3FB0]  }
0x29: {  	s4 =	sld [smem:$0x3FB2]  }
0x2a: {  	p0 =	seq.s32 s5, $0x0;
	s5 =	sld [smem:$0x3FB3]  }
0x2b: {  	s6 =	sld [smem:$0x3FB4]  }
0x2c: {  	s7 =	sld [smem:$0x3FB5]  }
0x2d: {  	s3 =	simm.s32 $0x108;
	s8 =	sld [smem:$0x3FB6]  }
0x2e: {  	s3 =	simm.s32 @!p0 $0x1082;
	s9 =	sld [smem:$0x3FB7]  }
0x2f: {  	lr =	sadd.s32 s0, s3;
	s0 =	sld [smem:$0x3FAE]  }
0x30: {  	s3 =	sld [smem:$0x3FB1]  }
0x31: {  	[smem:$0x3FBA] =	sst s10  }
0x32: {  	s10 =	sld [smem:$0x3FB8];
	_ =	sdelay $0x3  }
0x33: {  	p0 =	seq.s32 s10, $0x1;
	s10 =	sld [smem:$0x3FBA];
	_ =	sdelay $0x3  }
0x34: {  	[smem:$0x3FBA] =	sst s10  }
0x35: {  	s10 =	sld [smem:$0x3FB9];
	_ =	sdelay $0x3  }
0x36: {  	p1 =	seq.s32 s10, $0x1;
	s10 =	sld [smem:$0x3FBA];
	_ =	sdelay $0x3  }
0x37: {  	[smem:$0x3FBA] =	sst s10  }
0x38: {  	s10 =	sld [smem:$0x3FBB]  }
0x39: {  	_ = 	snop;
	(pc) =	sbr.ind lr, $3  }
0x3a: {  	_ = 	snop  }
0x3b: {  	_ = 	snop  }
0x3c: {  	p2 =	seq.s32 s10, $0x1;
	s10 =	sld [smem:$0x3FBA]  }
0x3d: {  	_ =	shalt  }
0x3e: {  	_ =	shalt  }
0x3f: {  	_ =	shalt  }
0x40: {  	_ =	shalt  }
0x41: {  	_ =	shalt  }
0x42: {  	_ =	shalt  }
0x43: {  	_ =	shalt  }
0x44: {  	_ =	shalt  }
0x45: {  	_ =	shalt  }
0x46: {  	_ =	shalt  }
0x47: {  	_ =	shalt  }
0x48: {  	_ =	shalt  }
0x49: {  	_ =	shalt  }
0x4a: {  	_ =	shalt  }
0x4b: {  	_ =	shalt  }
0x4c: {  	_ =	shalt  }
0x4d: {  	_ =	shalt  }
0x4e: {  	_ =	shalt  }
0x4f: {  	_ =	shalt  }
0x50: {  	_ =	shalt  }
0x51: {  	_ =	shalt  }
0x52: {  	_ =	shalt  }
0x53: {  	_ =	shalt  }
0x54: {  	_ =	shalt  }
0x55: {  	_ =	shalt  }
0x56: {  	_ =	shalt  }
0x57: {  	_ =	shalt  }
0x58: {  	_ =	shalt  }
0x59: {  	_ =	shalt  }
0x5a: {  	_ =	shalt  }
0x5b: {  	_ =	shalt  }
0x5c: {  	_ =	shalt  }
0x5d: {  	_ =	shalt  }
0x5e: {  	_ =	shalt  }
0x5f: {  	_ =	shalt  }
0x60: {  	_ =	shalt  }
0x61: {  	_ =	shalt  }
0x62: {  	_ =	shalt  }
0x63: {  	_ =	shalt  }
0x64: {  	_ =	shalt  }
0x65: {  	_ =	shalt  }
0x66: {  	_ =	shalt  }
0x67: {  	_ =	shalt  }
0x68: {  	_ =	shalt  }
0x69: {  	_ =	shalt  }
0x6a: {  	_ =	shalt  }
0x6b: {  	_ =	shalt  }
0x6c: {  	_ =	shalt  }
0x6d: {  	_ =	shalt  }
0x6e: {  	_ =	shalt  }
0x6f: {  	_ =	shalt  }
0x70: {  	_ =	shalt  }
0x71: {  	_ =	shalt  }
0x72: {  	_ =	shalt  }
0x73: {  	_ =	shalt  }
0x74: {  	_ =	shalt  }
0x75: {  	_ =	shalt  }
0x76: {  	_ =	shalt  }
0x77: {  	_ =	shalt  }
0x78: {  	_ =	shalt  }
0x79: {  	_ =	shalt  }
0x7a: {  	_ =	shalt  }
0x7b: {  	_ =	shalt  }
0x7c: {  	_ =	shalt  }
0x7d: {  	_ =	shalt  }
0x7e: {  	_ =	shalt  }
0x7f: {  	_ =	shalt  }
0x80: {  	_ =	shalt  }
0x81: {  	_ =	shalt  }
0x82: {  	_ =	shalt  }
0x83: {  	_ =	shalt  }
0x84: {  	_ =	shalt  }
0x85: {  	_ =	shalt  }
0x86: {  	_ =	shalt  }
0x87: {  	_ =	shalt  }
.Lfunc_end0:
.L_simem_size_0:
called_computation_lowered:
.L_overlay_start_0:
0x88: {  	s2 =	sld [smem:$0x3FD9]  }
0x89: {  	s3 =	sld [smem:$0x3FFE];
	_ =	sdelay $0x1  }
0x8a: {  	s1 =	srdreg.scid  }
0x8b: {  	s0 =	sand.u32 $0x1, s1  }
0x8c: {  	s18 =	sshll.u32 s0, $0xA;
	s2 =	sadd.s32 s3, s2  }
0x8d: {  	s2 =	sadd.s32 s2, s18  }
0x8e: {  	[smem:$0x3FC6] =	sst s2  }
0x8f: {  	_ = 	snop  }
0x90: {  	s2 =	sld [smem:$0x3FC9]  }
0x91: {  	s19 =	sld [smem:$0x3FC8]  }
0x92: {  	s4 =	sld [smem:$0x3FD0];
	(tm) =	ssettm $0x1  }
0x93: {  	s5 =	sld [smem:$0x3FFB];
	_ =	sdelay $0x3  }
0x94: {  	_ =	strace s5  }
0x95: {  	s5 =	sld [smem:$0x3FFC];
	_ =	sdelay $0x3  }
0x96: {  	_ =	strace s5  }
0x97: {  	s5 =	sld [smem:$0x3FFD];
	_ =	sdelay $0x3  }
0x98: {  	_ =	strace s5  }
0x99: {  	_ =	strace $0x8FFFFFFF  }
0x9a: {  	s20 =	sld [smem:$0x3FDB];
	_ =	sdelay $0x1  }
0x9b: {  	s6 =	simm.s32 $_scs_section_size  }
0x9c: {  	s7 =	simm.s32 $_size__tile_overlayer_lowered;
	s8 =	simm.s32 $_tile_overlayer_lowered  }
0x9d: {  	s23 =	simm.s32 $0x1BFF;
	s22 =	sshll.u32 s8, $0x1;
	s5 =	sadd.s32 s6, s20  }
0x9e: {  	s9 =	simm.s32 $0x0;
	s21 =	sshll.u32 s7, $0x1;
	s7 =	sadd.s32 s22, s5  }
0x9f: {  	[timem:s9], [sflag:s23] =	dma.local [hbm:s7], s21  }
0xa0: {  	_ =	swait.ge [sflag:s23], s21  }
0xa1: {  	s6 =	ssub.s32 $0x0, s21;
	[sflag:s23] =	ssyncset.done $0x0  }
0xa2: {  	[sflag:s23] =	ssyncadd.s32 s6;
	_ =	sdelay $0x1  }
0xa3: {  	s24 =	simm.s32 $0x1B8B  }
0xa4: {  	_ =	swait.ge [sflag:s24], $0x1  }
0xa5: {  	[sflag:s24] =	ssyncset.done $0x0  }
0xa6: {  	s25 =	simm.s32 $0x1B8E;
	[sflag:s24] =	ssyncadd.s32 $0xFFFFFFFF  }
0xa7: {  	s26 =	simm.s32 $execute0_lowered;
	[smem:$0x3FD2] =	sst s25  }
0xa8: {  	s6 =	sshll.u32 s26, $0x1;
	_ =	strace $0x80000046;
	[dreg:$0x1] =	wrdreg $0xFFFFFFFF  }
0xa9: {  	s28 =	simm.s32 $_size_execute0_lowered;
	s5 =	sadd.s32 s5, s6;
	[dreg:$0x0] =	wrdreg $0x0  }
0xaa: {  	s6 =	sshll.u32 s28, $0x1;
	[dreg:$0x2] =	wrdreg s5  }
0xab: {  	[dreg:$0x3] =	wrdreg s6  }
0xac: {  	[dreg:$0x4] =	wrdreg $0xC0  }
0xad: {  	_ =	task [dreg:s9], $0x5FFFF  }
0xae: {  	[dreg:$0x1] =	wrdreg $0xFFFFFFFF  }
0xaf: {  	[dreg:$0x0] =	wrdreg $0x60  }
0xb0: {  	[dreg:$0x2] =	wrdreg s2  }
0xb1: {  	[dreg:$0x3] =	wrdreg s19  }
0xb2: {  	[dreg:$0x4] =	wrdreg s4  }
0xb3: {  	[dreg:$0x5] =	wrdreg $0x9  }
0xb4: {  	_ =	task.clear_ibuf [dreg:s9], $0x6FFFF;
	_ =	strace $0x90000046  }
0xb5: {  	s29 =	simm.s32 $0x9;
	_ =	strace $0x80000048  }
0xb6: {  	_ =	swait.ge [sflag:s29], $0x1  }
0xb7: {  	[sflag:s29] =	ssyncadd.s32 $0xFFFFFFFF  }
0xb8: {  	_ =	strace $0x90000048  }
0xb9: {  	_ =	sfence  }
0xba: {  	s30 =	sld [smem:$0x0];
	_ =	sdelay $0x2  }
0xbb: {  	s31 =	sshll.u32 s1, $0xD;
	s1 =	sshrl.u32 s1, $0x2  }
0xbc: {  	s3 =	sand.u32 $0x4000, s31;
	s1 =	sadd.s32 s1, s30  }
0xbd: {  	s0 =	sor.u32 s3, s0;
	s1 =	sshll.u32 s1, $0x11  }
0xbe: {  	s0 =	sor.u32 s1, s0  }
0xbf: {  	s0 =	sadd.s32 $0x8F2B, s0  }
0xc0: {  	[sflag:s0] =	ssyncadd.remote.s32 $0x1  }
0xc1: {  	_ =	sfence.sel $0xFFFF  }
0xc2: {  	[dreg:$0x0] =	wrdreg $0xFFFFFFFF;
	(pc) =	sbr.abs _section_cstart, $3  }
0xc3: {  	[dreg:$0x1] =	wrdreg $0xFFFFFFFF  }
0xc4: {  	_ =	task.clear_ibuf [dreg:s9], $0x2FFFF;
	_ =	strace $0x9FFFFFFF  }
0xc5: {  	(tm) =	ssettm $0x7FFFFFFF  }
tec
execute0_lowered:
.L_overlay_start_1:
0x0: {  	(tag) =	ssettag $0x1  }
0x1: {  	s1 =	rddreg [dreg:$0x0]  }
0x2: {  	s3 =	rddreg [dreg:$0x1];
	s2 =	srdreg.scid  }
0x3: {  	s0 =	stileid.u32;
	s4 =	rddreg [dreg:$0x2];
	s11 =	simm.s32 $0x5  }
0x4: {  	s12 =	simm.s32 $0x6400;
	s13 =	simm.s32 $0xA400;
	s14 =	simm.s32 $0x1  }
0x5: {  	s15 =	simm.s32 $0x2;
	s16 =	simm.s32 $0x3;
	s17 =	simm.s32 $0x4  }
0x6: {  	s18 =	simm.s32 $0x0;
	s6 =	sand.u32 $0x1, s2;
	s5 =	sshll.u32 s0, $0x1  }
.Ltmp0:
0x7: {  	s2 =	rddreg [dreg:$0x3];
	s8 =	sor.u32 s6, s5;
	(pc) =	sbr.rel .LBB2_1-.Ltmp0, $4  }
0x8: {  	s5 =	simm.s32 $0x0;
	s7 =	ssub.s32 $0x2, s6;
	s6 =	smul.u32 $0xC8000, s8  }
0x9: {  	[smem:$0x7FF] =	sst s5;
	s9 =	sshrl.u32 s7, $0x1;
	s8 =	smul.u32 $0x1900, s8  }
0xa: {  	_ =	strace $0x80000047;
	s10 =	ssub.s32 s7, s9;
	s31 =	sshrl.u32 s6, $0x3  }
0xb: {  	s9 =	sadd.s32 $0x8000, s6;
	s10 =	smax.u32 s10, $0x1;
	s7 =	sadd.s32 s1, s31  }
.LBB2_8:
0xc: {  	s18 =	sadd.s32 $0x1, s18  }
0xd: {  	p0 =	sne.s32 s18, s10  }
.Ltmp1:
0xe: {  	_ = 	snop;
	(pc) =	sbr.rel @!p0 .LBB2_9-.Ltmp1, $4  }
0xf: {  	_ = 	snop  }
0x10: {  	_ =	swait.ge [sflag:s17], $0x4000  }
0x11: {  	[sflag:s17] =	ssyncset.done $0x0  }
0x12: {  	[sflag:s17] =	ssyncadd.s32 $0xFFFFC000  }
.LBB2_1:
0x13: {  	[tilespmem:s5], [sflag:$0x5] =	stream.linear.gather [hbm4b:s3+s5], $0x6400, $0x38;
	[tilespmem:$0xE400] =	vst v63  }
0x14: {  	_ =	swait.ge [sflag:s11], $0x6400  }
0x15: {  	[sflag:s11] =	ssyncset.done $0x0  }
0x16: {  	s19 =	simm.s32 $0x0;
	[sflag:s11] =	ssyncadd.s32 $0xFFFF9C00  }
0x17: {  	[tilespmem:s12], [sflag:$0x1] =	stream.linear.gather [hbm4b:s7+s5], $0x4000, $0x38;
	[tilespmem:$0xE400] =	vst v63  }
.LBB2_2:
0x18: {  	p0 =	seq.s32 s19, $0x0;
	s20 =	sshll.u32 s19, $0xF  }
0x19: {  	s22 =	simm.s32 @!p0 $0x4;
	s21 =	sadd.s32 s20, s6  }
0x1a: {  	_ =	swait.ge @!p0 [sflag:s22], $0x4000;
	s21 =	sadd.s32 $0x4000, s21  }
0x1b: {  	[sflag:s22] =	ssyncset.done @!p0 $0x0;
	s21 =	sshrl.u32 s21, $0x3  }
0x1c: {  	s23 =	sshll.u32 s19, $0x8;
	[sflag:s22] =	ssyncadd.s32 @!p0 $0xFFFFC000;
	s30 =	sadd.s32 s1, s21  }
0x1d: {  	[tilespmem:s13], [sflag:$0x2] =	stream.linear.gather [hbm4b:s30+s5], $0x4000, $0x38;
	[tilespmem:$0xE400] =	vst v63  }
0x1e: {  	s31 =	sadd.s32 s8, s23;
	_ =	swait.ge [sflag:s14], $0x4000  }
0x1f: {  	s22 =	sshrl.u32 s31, $0x3;
	[sflag:s14] =	ssyncset.done $0x0  }
0x20: {  	s22 =	sand.u32 $0xFFFFF80, s22;
	[sflag:s14] =	ssyncadd.s32 $0xFFFFC000  }
0x21: {  	v2 =	vld [tilespmem:s22+$0x0]  }
0x22: {  	v4 =	vld [tilespmem:s22+$0x10]  }
0x23: {  	v6 =	vld [tilespmem:s22+$0x20]  }
0x24: {  	v7 =	vld [tilespmem:s22+$0x30]  }
0x25: {  	v5 =	vld [tilespmem:s22+$0x40]  }
0x26: {  	v3 =	vld [tilespmem:s22+$0x50]  }
0x27: {  	v1 =	vld [tilespmem:s22+$0x60]  }
0x28: {  	s23 =	simm.s32 $0x6480;
	v0 =	vld [tilespmem:s22+$0x70]  }
0x29: {  	v8 =	vld [tilespmem:s23+$0xFFFFFF80]  }
0x2a: {  	v9 =	vld [tilespmem:s23+$0xFFFFFF90]  }
0x2b: {  	v10 =	vld [tilespmem:s23+$0xFFFFFFA0]  }
0x2c: {  	v11 =	vld [tilespmem:s23+$0xFFFFFFB0]  }
0x2d: {  	v12 =	vld [tilespmem:s23+$0xFFFFFFC0]  }
0x2e: {  	v13 =	vld [tilespmem:s23+$0xFFFFFFD0];
	v8 =	vadd.f32 v8, v2  }
0x2f: {  	v14 =	vld [tilespmem:s23+$0xFFFFFFE0];
	v9 =	vadd.f32 v9, v4  }
0x30: {  	[tilespmem:s23+$0xFFFFFF80] =	vst v8;
	v8 =	vadd.f32 v10, v6;
	v10 =	vld [tilespmem:s23+$0x0]  }
0x31: {  	[tilespmem:s23+$0xFFFFFF90] =	vst v9;
	v9 =	vadd.f32 v11, v7;
	v11 =	vld [tilespmem:s23+$0x10]  }
0x32: {  	[tilespmem:s23+$0xFFFFFFA0] =	vst v8;
	v8 =	vadd.f32 v12, v5;
	v12 =	vld [tilespmem:s23+$0x20]  }
0x33: {  	v15 =	vld [tilespmem:s23+$0x30];
	[tilespmem:s23+$0xFFFFFFB0] =	vst v9;
	v9 =	vadd.f32 v13, v3  }
0x34: {  	v13 =	vadd.f32 v14, v1;
	[tilespmem:s23+$0xFFFFFFC0] =	vst v8;
	v8 =	vld [tilespmem:s23+$0x40]  }
0x35: {  	[tilespmem:s23+$0xFFFFFFD0] =	vst v9;
	v9 =	vld [tilespmem:s23+$0x50];
	v10 =	vadd.f32 v10, v2  }
0x36: {  	[tilespmem:s23+$0xFFFFFFE0] =	vst v13;
	v14 =	vadd.f32 v11, v4;
	v11 =	vld [tilespmem:s23+$0x60]  }
0x37: {  	[tilespmem:s23+$0x0] =	vst v10;
	v13 =	vadd.f32 v12, v6;
	v12 =	vld [tilespmem:s23+$0x70]  }
0x38: {  	s24 =	simm.s32 $0x0;
	s25 =	simm.s32 $0x6580;
	v10 =	vld [tilespmem:s23+$0xFFFFFFF0];
	[tilespmem:s23+$0x10] =	vst v14;
	v14 =	vadd.f32 v15, v7  }
.LBB2_3:
0x39: {  	v15 =	vld [tilespmem:s25+$0xFFFFFF80];
	[tilespmem:s23+$0x20] =	vst v13;
	v8 =	vadd.f32 v8, v5  }
0x3a: {  	v13 =	vld [tilespmem:s25+$0xFFFFFF90];
	[tilespmem:s23+$0x30] =	vst v14;
	v9 =	vadd.f32 v9, v3  }
0x3b: {  	v14 =	vld [tilespmem:s25+$0xFFFFFFA0];
	[tilespmem:s23+$0x40] =	vst v8;
	v8 =	vadd.f32 v11, v1  }
0x3c: {  	v11 =	vld [tilespmem:s25+$0xFFFFFFB0];
	[tilespmem:s23+$0x50] =	vst v9;
	v9 =	vadd.f32 v12, v0  }
0x3d: {  	v12 =	vld [tilespmem:s25+$0xFFFFFFC0];
	v10 =	vadd.f32 v10, v0;
	[tilespmem:s23+$0x60] =	vst v8  }
0x3e: {  	v8 =	vadd.f32 v15, v2;
	v15 =	vld [tilespmem:s25+$0xFFFFFFD0];
	[tilespmem:s23+$0x70] =	vst v9  }
0x3f: {  	v9 =	vadd.f32 v13, v4;
	v13 =	vld [tilespmem:s25+$0xFFFFFFE0];
	[tilespmem:s23+$0xFFFFFFF0] =	vst v10;
	s23 =	smov.u32 s25  }
0x40: {  	[tilespmem:s25+$0xFFFFFF80] =	vst v8;
	v8 =	vadd.f32 v14, v6;
	v10 =	vld [tilespmem:s25+$0x0]  }
0x41: {  	[tilespmem:s25+$0xFFFFFF90] =	vst v9;
	v9 =	vadd.f32 v11, v7;
	v11 =	vld [tilespmem:s25+$0x10]  }
0x42: {  	s24 =	sadd.s32 $0x2, s24;
	[tilespmem:s25+$0xFFFFFFA0] =	vst v8;
	v8 =	vadd.f32 v12, v5;
	v12 =	vld [tilespmem:s25+$0x20]  }
0x43: {  	p0 =	slt.u32 s24, $0x7E;
	[tilespmem:s25+$0xFFFFFFB0] =	vst v9;
	v9 =	vadd.f32 v15, v3;
	v14 =	vld [tilespmem:s25+$0x30]  }
.Ltmp2:
0x44: {  	[tilespmem:s25+$0xFFFFFFC0] =	vst v8;
	v13 =	vadd.f32 v13, v1;
	v8 =	vld [tilespmem:s25+$0x40];
	(pc) =	sbr.rel @p0 .LBB2_3-.Ltmp2, $4  }
0x45: {  	[tilespmem:s25+$0xFFFFFFD0] =	vst v9;
	v10 =	vadd.f32 v10, v2;
	v9 =	vld [tilespmem:s25+$0x50]  }
0x46: {  	[tilespmem:s25+$0xFFFFFFE0] =	vst v13;
	v15 =	vadd.f32 v11, v4;
	v11 =	vld [tilespmem:s25+$0x60]  }
0x47: {  	[tilespmem:s25+$0x0] =	vst v10;
	v13 =	vadd.f32 v12, v6;
	v12 =	vld [tilespmem:s25+$0x70]  }
0x48: {  	s25 =	sadd.s32 $0x100, s25;
	v10 =	vld [tilespmem:s23+$0xFFFFFFF0];
	[tilespmem:s23+$0x10] =	vst v15;
	v14 =	vadd.f32 v14, v7  }
0x49: {  	[tilespmem:s23+$0x20] =	vst v13;
	v2 =	vadd.f32 v8, v5  }
0x4a: {  	[tilespmem:s23+$0x30] =	vst v14;
	v3 =	vadd.f32 v9, v3  }
0x4b: {  	[tilespmem:s23+$0x40] =	vst v2;
	v1 =	vadd.f32 v11, v1  }
0x4c: {  	[tilespmem:s23+$0x50] =	vst v3;
	v2 =	vadd.f32 v12, v0  }
0x4d: {  	s24 =	sadd.s32 s6, s20;
	v0 =	vadd.f32 v10, v0;
	[tilespmem:s23+$0x60] =	vst v1  }
0x4e: {  	s24 =	sshrl.u32 s24, $0x3;
	[tilespmem:s23+$0x70] =	vst v2  }
0x4f: {  	s31 =	sadd.s32 s4, s24;
	[tilespmem:s23+$0xFFFFFFF0] =	vst v0  }
0x50: {  	[hbm4b:s31+s5] =	stream.linear.scatter [tilespmem:s12], [sflag:$0x3], $0x4000, $0x38;
	[tilespmem:$0xE400] =	vst v63  }
0x51: {  	_ =	swait.ge [sflag:s15], $0x4000  }
0x52: {  	[sflag:s15] =	ssyncset.done $0x0  }
0x53: {  	[sflag:s15] =	ssyncadd.s32 $0xFFFFC000  }
0x54: {  	v2 =	vld [tilespmem:s22+$0x0]  }
0x55: {  	v4 =	vld [tilespmem:s22+$0x10]  }
0x56: {  	v6 =	vld [tilespmem:s22+$0x20]  }
0x57: {  	v7 =	vld [tilespmem:s22+$0x30]  }
0x58: {  	v5 =	vld [tilespmem:s22+$0x40]  }
0x59: {  	v3 =	vld [tilespmem:s22+$0x50]  }
0x5a: {  	v1 =	vld [tilespmem:s22+$0x60]  }
0x5b: {  	v0 =	vld [tilespmem:s22+$0x70];
	s22 =	simm.s32 $0xA480  }
0x5c: {  	v8 =	vld [tilespmem:s22+$0xFFFFFF80]  }
0x5d: {  	v9 =	vld [tilespmem:s22+$0xFFFFFF90]  }
0x5e: {  	v10 =	vld [tilespmem:s22+$0xFFFFFFA0]  }
0x5f: {  	v11 =	vld [tilespmem:s22+$0xFFFFFFB0]  }
0x60: {  	v12 =	vld [tilespmem:s22+$0xFFFFFFC0]  }
0x61: {  	v13 =	vld [tilespmem:s22+$0xFFFFFFD0];
	v8 =	vadd.f32 v8, v2  }
0x62: {  	v14 =	vld [tilespmem:s22+$0xFFFFFFE0];
	v9 =	vadd.f32 v9, v4  }
0x63: {  	[tilespmem:s22+$0xFFFFFF80] =	vst v8;
	v8 =	vadd.f32 v10, v6;
	v10 =	vld [tilespmem:s22+$0x0]  }
0x64: {  	[tilespmem:s22+$0xFFFFFF90] =	vst v9;
	v9 =	vadd.f32 v11, v7;
	v11 =	vld [tilespmem:s22+$0x10]  }
0x65: {  	[tilespmem:s22+$0xFFFFFFA0] =	vst v8;
	v8 =	vadd.f32 v12, v5;
	v12 =	vld [tilespmem:s22+$0x20]  }
0x66: {  	v15 =	vld [tilespmem:s22+$0x30];
	[tilespmem:s22+$0xFFFFFFB0] =	vst v9;
	v9 =	vadd.f32 v13, v3  }
0x67: {  	v13 =	vadd.f32 v14, v1;
	[tilespmem:s22+$0xFFFFFFC0] =	vst v8;
	v8 =	vld [tilespmem:s22+$0x40]  }
0x68: {  	[tilespmem:s22+$0xFFFFFFD0] =	vst v9;
	v9 =	vld [tilespmem:s22+$0x50];
	v10 =	vadd.f32 v10, v2  }
0x69: {  	[tilespmem:s22+$0xFFFFFFE0] =	vst v13;
	v14 =	vadd.f32 v11, v4;
	v11 =	vld [tilespmem:s22+$0x60]  }
0x6a: {  	[tilespmem:s22+$0x0] =	vst v10;
	v13 =	vadd.f32 v12, v6;
	v12 =	vld [tilespmem:s22+$0x70]  }
0x6b: {  	s24 =	simm.s32 $0xA580;
	s23 =	simm.s32 $0x0;
	v10 =	vld [tilespmem:s22+$0xFFFFFFF0];
	[tilespmem:s22+$0x10] =	vst v14;
	v14 =	vadd.f32 v15, v7  }
.LBB2_5:
0x6c: {  	v15 =	vld [tilespmem:s24+$0xFFFFFF80];
	[tilespmem:s22+$0x20] =	vst v13;
	v8 =	vadd.f32 v8, v5  }
0x6d: {  	v13 =	vld [tilespmem:s24+$0xFFFFFF90];
	[tilespmem:s22+$0x30] =	vst v14;
	v9 =	vadd.f32 v9, v3  }
0x6e: {  	v14 =	vld [tilespmem:s24+$0xFFFFFFA0];
	[tilespmem:s22+$0x40] =	vst v8;
	v8 =	vadd.f32 v11, v1  }
0x6f: {  	v11 =	vld [tilespmem:s24+$0xFFFFFFB0];
	[tilespmem:s22+$0x50] =	vst v9;
	v9 =	vadd.f32 v12, v0  }
0x70: {  	v12 =	vld [tilespmem:s24+$0xFFFFFFC0];
	v10 =	vadd.f32 v10, v0;
	[tilespmem:s22+$0x60] =	vst v8  }
0x71: {  	v8 =	vadd.f32 v15, v2;
	v15 =	vld [tilespmem:s24+$0xFFFFFFD0];
	[tilespmem:s22+$0x70] =	vst v9  }
0x72: {  	v9 =	vadd.f32 v13, v4;
	v13 =	vld [tilespmem:s24+$0xFFFFFFE0];
	[tilespmem:s22+$0xFFFFFFF0] =	vst v10;
	s22 =	smov.u32 s24  }
0x73: {  	[tilespmem:s24+$0xFFFFFF80] =	vst v8;
	v8 =	vadd.f32 v14, v6;
	v10 =	vld [tilespmem:s24+$0x0]  }
0x74: {  	[tilespmem:s24+$0xFFFFFF90] =	vst v9;
	v9 =	vadd.f32 v11, v7;
	v11 =	vld [tilespmem:s24+$0x10]  }
0x75: {  	s23 =	sadd.s32 $0x2, s23;
	[tilespmem:s24+$0xFFFFFFA0] =	vst v8;
	v8 =	vadd.f32 v12, v5;
	v12 =	vld [tilespmem:s24+$0x20]  }
0x76: {  	p0 =	slt.u32 s23, $0x7E;
	[tilespmem:s24+$0xFFFFFFB0] =	vst v9;
	v9 =	vadd.f32 v15, v3;
	v14 =	vld [tilespmem:s24+$0x30]  }
.Ltmp3:
0x77: {  	[tilespmem:s24+$0xFFFFFFC0] =	vst v8;
	v13 =	vadd.f32 v13, v1;
	v8 =	vld [tilespmem:s24+$0x40];
	(pc) =	sbr.rel @p0 .LBB2_5-.Ltmp3, $4  }
0x78: {  	[tilespmem:s24+$0xFFFFFFD0] =	vst v9;
	v10 =	vadd.f32 v10, v2;
	v9 =	vld [tilespmem:s24+$0x50]  }
0x79: {  	[tilespmem:s24+$0xFFFFFFE0] =	vst v13;
	v15 =	vadd.f32 v11, v4;
	v11 =	vld [tilespmem:s24+$0x60]  }
0x7a: {  	[tilespmem:s24+$0x0] =	vst v10;
	v13 =	vadd.f32 v12, v6;
	v12 =	vld [tilespmem:s24+$0x70]  }
0x7b: {  	s24 =	sadd.s32 $0x100, s24;
	v10 =	vld [tilespmem:s22+$0xFFFFFFF0];
	[tilespmem:s22+$0x10] =	vst v15;
	v14 =	vadd.f32 v14, v7  }
0x7c: {  	[tilespmem:s22+$0x20] =	vst v13;
	v2 =	vadd.f32 v8, v5  }
0x7d: {  	[tilespmem:s22+$0x30] =	vst v14;
	v3 =	vadd.f32 v9, v3  }
0x7e: {  	[tilespmem:s22+$0x40] =	vst v2;
	v1 =	vadd.f32 v11, v1  }
0x7f: {  	[tilespmem:s22+$0x50] =	vst v3;
	v62 =	vadd.f32 v12, v0  }
0x80: {  	v63 =	vadd.f32 v10, v0;
	[tilespmem:s22+$0x60] =	vst v1  }
0x81: {  	p0 =	seq.s32 s19, $0x18;
	[tilespmem:s22+$0x70] =	vst v62  }
.Ltmp4:
0x82: {  	s21 =	sadd.s32 s4, s21;
	[tilespmem:s22+$0xFFFFFFF0] =	vst v63;
	(pc) =	sbr.rel @p0 .LBB2_8-.Ltmp4, $4  }
0x83: {  	[hbm4b:s21+s5] =	stream.linear.scatter [tilespmem:s13], [sflag:$0x4], $0x4000, $0x38;
	[tilespmem:$0xE400] =	vst v63  }
0x84: {  	_ =	swait.ge [sflag:s16], $0x4000  }
0x85: {  	[sflag:s16] =	ssyncset.done $0x0  }
0x86: {  	[sflag:s16] =	ssyncadd.s32 $0xFFFFC000  }
.Ltmp5:
0x87: {  	(pc) =	sbr.rel .LBB2_2-.Ltmp5, $4  }
0x88: {  	s20 =	sadd.s32 s20, s9  }
0x89: {  	s20 =	sshrl.u32 s20, $0x3  }
0x8a: {  	s19 =	sadd.s32 $0x1, s19;
	s20 =	sadd.s32 s1, s20  }
0x8b: {  	[tilespmem:s12], [sflag:$0x1] =	stream.linear.gather [hbm4b:s20+s5], $0x4000, $0x38;
	[tilespmem:$0xE400] =	vst v63  }
.LBB2_9:
0x8c: {  	_ =	sfence.sel $0x180000  }
0x8d: {  	[bflag:$0x0] =	sbarrier.arrive $0xFFFF  }
0x8e: {  	p0 =	sne.s32 s0, $0x0;
	_ =	strace $0x90000047  }
0x8f: {  	s0 =	sadd.s32 @!p0 $0x100000, s2;
	[bflag:$0x2] =	sbarrier.arrive $0xFFFF  }
0x90: {  	[sflag:s0] =	ssyncadd.tile.s32 @!p0 $0x1;
	_ =	shalt  }
.Lfunc_end2:
_tile_overlayer_lowered:
.L_overlay_start_2:
0x91: {  	(tag) =	ssettag $0x2  }
0x92: {  	s0 =	rddreg [dreg:$0x0];
	s2 =	stileid.u32  }
0x93: {  	s1 =	rddreg [dreg:$0x1];
	p0 =	sne.s32 s2, $0x0  }
0x94: {  	s3 =	rddreg [dreg:$0x2];
	[bflag:$0x3] =	sbarrier.arrive $0xFFFF;
	s2 =	simm.s32 @!p0 $0x1C05  }
0x95: {  	[timem:s3], [sflag:s2] =	dma.local @!p0 [hbm:s0], s1  }
0x96: {  	s0 =	simm.s32 @!p0 $0x5  }
0x97: {  	_ =	swait.ge @!p0 [sflag:s0], s1  }
0x98: {  	s1 =	ssub.s32 @!p0 $0x0, s1;
	[sflag:s0] =	ssyncset.done @!p0 $0x0  }
0x99: {  	[sflag:s0] =	ssyncadd.s32 @!p0 s1  }
0x9a: {  	[bflag:$0x3] =	sbarrier.arrive $0xFFFF  }
0x9b: {  	_ =	shalt  }

</sc_bundles>
